<compile_context>
chip_gen: v7x
topology: tpu7x:2x2x1
jax: 0.10.2.dev20260603
libtpu: 0.0.44.dev20260713+nightly
codegen_flags: <defaults>
</compile_context>

<pallas_src>
import functools

import jax
import jax.numpy as jnp
from jax import lax
from jax.experimental import pallas as pl
from jax.experimental.pallas import tpu as pltpu
from jax.experimental.pallas import tpu_sc as plsc

HIDDEN = 768
LANES = 16
HB = HIDDEN // LANES
NUM_CORES = 2
NUM_SUBCORES = 16
NUM_WORKERS = NUM_CORES * NUM_SUBCORES
CHUNK = 64
TC_BLK = 1024


def _sc_lookup(batch, seq):
    n_tokens = batch * seq
    tpw = n_tokens // NUM_WORKERS
    wps = seq // tpw
    n_chunks = tpw // CHUNK
    assert n_chunks % 2 == 0 and seq % tpw == 0

    mesh = plsc.VectorSubcoreMesh(core_axis_name="c", subcore_axis_name="s")

    @functools.partial(
        pl.kernel,
        out_type=jax.ShapeDtypeStruct((batch, seq, HIDDEN), jnp.float32),
        mesh=mesh,
        scratch_types=[
            pltpu.VMEM((5, HIDDEN), jnp.float32),
            pltpu.VMEM((tpw + LANES,), jnp.int32),
            pltpu.VMEM((tpw + LANES,), jnp.float32),
            pltpu.VMEM((2 * CHUNK, HIDDEN), jnp.float32),
            pltpu.SemaphoreType.DMA,
            pltpu.SemaphoreType.DMA,
        ],
    )
    def body(rp_hbm, mask_hbm, ktab_hbm, outk_hbm, tab, idx, msk, obuf,
             s0, s1):
        wid = lax.axis_index("s") * NUM_CORES + lax.axis_index("c")
        bi = wid // wps
        col = (wid % wps) * tpw

        pltpu.sync_copy(ktab_hbm, tab)
        pltpu.sync_copy(rp_hbm.at[bi, pl.ds(col, tpw)],
                        idx.at[pl.ds(0, tpw)])
        pltpu.sync_copy(mask_hbm.at[bi, pl.ds(col, tpw)],
                        msk.at[pl.ds(0, tpw)])

        def copy(par, row0):
            return pltpu.make_async_copy(
                obuf.at[pl.ds(par * CHUNK, CHUNK)],
                outk_hbm.at[bi, pl.ds(row0, CHUNK)], (s0, s1)[par])

        def chunk_body(c, carry):
            p = lax.rem(c, 2)

            @pl.when(c >= 2)
            def _():
                @pl.when(p == 0)
                def _():
                    copy(0, col).wait()

                @pl.when(p == 1)
                def _():
                    copy(1, col).wait()

            @plsc.parallel_loop(0, CHUNK, unroll=2)
            def tok_body(t):
                tok = c * CHUNK + t
                s = idx[pl.ds(tok, LANES)][0]
                m = msk[pl.ds(tok, LANES)][0]
                row = p * CHUNK + t
                for k in range(HB):
                    sl = pl.ds(k * LANES, LANES)
                    obuf[row, sl] = tab[s, sl] * m

            row0 = col + c * CHUNK

            @pl.when(p == 0)
            def _():
                copy(0, row0).start()

            @pl.when(p == 1)
            def _():
                copy(1, row0).start()

            return carry

        lax.fori_loop(0, n_chunks, chunk_body, 0, unroll=False)
        copy(0, col).wait()
        copy(1, col).wait()

    return body


def _tc_select_body(rp_ref, msk_ref, tab_ref, out_ref):
    rpv = rp_ref[0]
    m = msk_ref[0]
    tab = tab_ref[...]
    rows = lax.broadcasted_iota(jnp.int32, (5, TC_BLK), 0)
    eq = jnp.broadcast_to(rpv, (5, TC_BLK)) == rows
    onehot = jnp.where(eq, jnp.broadcast_to(m, (5, TC_BLK)), 0.0)
    out_ref[0] = lax.dot_general(
        onehot, tab, (((0,), (0,)), ((), ())),
        preferred_element_type=jnp.float32)


def _tc_lookup(batch, seq):
    n_blocks = batch * seq // TC_BLK
    return pl.pallas_call(
        _tc_select_body,
        grid=(n_blocks,),
        in_specs=[
            pl.BlockSpec((1, 1, TC_BLK), lambda i: (i, 0, 0)),
            pl.BlockSpec((1, 1, TC_BLK), lambda i: (i, 0, 0)),
            pl.BlockSpec((5, HIDDEN), lambda i: (0, 0)),
        ],
        out_specs=pl.BlockSpec((1, TC_BLK, HIDDEN), lambda i: (i, 0, 0)),
        out_shape=jax.ShapeDtypeStruct((n_blocks, TC_BLK, HIDDEN),
                                       jnp.float32),
    )


def kernel(relative_positions, entity_mask, entity_pos_key_table,
           entity_pos_value_table):
    b, s = relative_positions.shape
    rp = relative_positions.astype(jnp.int32)
    n_blocks = b * s // TC_BLK
    rp3 = rp.reshape(n_blocks, 1, TC_BLK)
    msk3 = entity_mask.reshape(n_blocks, 1, TC_BLK)

    out_k = _sc_lookup(b, s)(rp, entity_mask, entity_pos_key_table)
    out_v = _tc_lookup(b, s)(rp3, msk3, entity_pos_value_table)
    return out_k, out_v.reshape(b, s, HIDDEN)

# --- scband reference (transcript-rebuilt; emitter-appended) ---
"""Pipeline reference for scband-entity-aware-layer-39779987096224 (READ-ONLY COPY).

The authoritative reference and input builder live on the scoring server;
editing this copy changes nothing except your own understanding.
"""

import jax, jax.numpy as jnp
import numpy as np

HIDDEN = 768
MAX_DIST = 2
NUM_EMB = MAX_DIST * 2 + 1
B, S = 4, 4096


def setup_inputs(seed: int = 0) -> dict:
    key = jax.random.key(seed)
    k1, k2, k3, k4 = jax.random.split(key, 4)
    relative_positions = jax.random.randint(k1, (B, S), 0, NUM_EMB, dtype=jnp.int64 if jax.config.jax_enable_x64 else jnp.int32)
    entity_mask = jax.random.uniform(k2, (B, S), dtype=jnp.float32)
    entity_pos_key_table = jax.random.normal(k3, (NUM_EMB, HIDDEN), dtype=jnp.float32)
    entity_pos_value_table = jax.random.normal(k4, (NUM_EMB, HIDDEN), dtype=jnp.float32)
    return {
        "relative_positions": relative_positions,
        "entity_mask": entity_mask,
        "entity_pos_key_table": entity_pos_key_table,
        "entity_pos_value_table": entity_pos_value_table,
    }


def reference(relative_positions, entity_mask, entity_pos_key_table, entity_pos_value_table):
    # entity_mask = entity_mask.unsqueeze(-1)
    mask = entity_mask[..., None]
    # rel_pos_key = self.entity_pos_key(relative_positions) * entity_mask
    rel_pos_key_embedding = jnp.take(entity_pos_key_table, relative_positions, axis=0)
    rel_pos_key = rel_pos_key_embedding * mask
    # rel_pos_value = self.entity_pos_value(relative_positions) * entity_mask
    rel_pos_value_embedding = jnp.take(entity_pos_value_table, relative_positions, axis=0)
    rel_pos_value = rel_pos_value_embedding * mask
    return (rel_pos_key, rel_pos_value)

if __name__ == "__main__":
    import jax
    _d = setup_inputs()
    print(jax.jit(kernel)(*tuple(_d.values())))

</pallas_src>

<mosaic_0001>
#map = affine_map<(d0, d1) -> (0, 0)>
#map1 = affine_map<(d0, d1) -> (0, 0, 0)>
module attributes {stable_mosaic.version = 14 : i64} {
  func.func @body(%arg0: i32, %arg1: i32, %arg2: memref<4x4096xi32, #tpu.memory_space<hbm>>, %arg3: memref<4x4096xf32, #tpu.memory_space<hbm>>, %arg4: memref<5x768xf32, #tpu.memory_space<hbm>>, %arg5: memref<4x4096x768xf32, #tpu.memory_space<hbm>>, %arg6: memref<5x768xf32, #tpu.memory_space<vmem>>, %arg7: memref<528xi32, #tpu.memory_space<vmem>>, %arg8: memref<528xf32, #tpu.memory_space<vmem>>, %arg9: memref<128x768xf32, #tpu.memory_space<vmem>>, %arg10: memref<!tpu.dma_semaphore, #tpu.memory_space<semaphore_mem>>, %arg11: memref<!tpu.dma_semaphore, #tpu.memory_space<semaphore_mem>>) attributes {dimension_semantics = [#tpu.dimension_semantics<core_parallel>, #tpu.dimension_semantics<subcore_parallel>], iteration_bounds = array<i64: 2, 16>, scalar_prefetch = 0 : i64, scratch_operands = 6 : i64, tpu.core_type = #tpu.core_type<sc_vector_subcore>, window_params = [{transform_indices = #map}, {transform_indices = #map}, {transform_indices = #map}, {transform_indices = #map1}]} {
    %mul3A = arith.constant 2 : i32
    %mul3A_0 = arith.muli %arg1, %mul3A : i32
    %add3A = arith.addi %mul3A_0, %arg0 : i32
    %jit3A = arith.constant 8 : i32
    %div3A = arith.divsi %add3A, %jit3A : i32
    %sign3A = arith.constant 0 : i32
    %sign3A_1 = arith.cmpi sgt, %add3A, %sign3A : i32
    %sign3A_2 = arith.extui %sign3A_1 : i1 to i32
    %sign3A_3 = arith.constant 0 : i32
    %sign3A_4 = arith.cmpi slt, %add3A, %sign3A_3 : i32
    %sign3A_5 = arith.extui %sign3A_4 : i1 to i32
    %sign3A_6 = arith.subi %sign3A_2, %sign3A_5 : i32
    %sign3A_7 = arith.constant 0 : i32
    %sign3A_8 = arith.cmpi sgt, %jit3A, %sign3A_7 : i32
    %sign3A_9 = arith.extui %sign3A_8 : i1 to i32
    %sign3A_10 = arith.constant 0 : i32
    %sign3A_11 = arith.cmpi slt, %jit3A, %sign3A_10 : i32
    %sign3A_12 = arith.extui %sign3A_11 : i1 to i32
    %sign3A_13 = arith.subi %sign3A_9, %sign3A_12 : i32
    %ne3A = arith.cmpi ne, %sign3A_6, %sign3A_13 : i32
    %rem3A = arith.remsi %add3A, %jit3A : i32
    %ne3A_14 = arith.constant 0 : i32
    %ne3A_15 = arith.cmpi ne, %rem3A, %ne3A_14 : i32
    %and3A = arith.andi %ne3A, %ne3A_15 : i1
    %sub3A = arith.constant 1 : i32
    %sub3A_16 = arith.subi %div3A, %sub3A : i32
    %select_n3A = arith.select %and3A, %sub3A_16, %div3A : i32
    %jit3A_17 = arith.constant 8 : i32
    %eq3A = arith.constant 0 : i32
    %eq3A_18 = arith.cmpi eq, %jit3A_17, %eq3A : i32
    %jit3A_19 = arith.constant 1 : i32
    %select_n3A_20 = arith.select %eq3A_18, %jit3A_19, %jit3A_17 : i32
    %rem3A_21 = arith.remsi %add3A, %select_n3A_20 : i32
    %ne3A_22 = arith.constant 0 : i32
    %ne3A_23 = arith.cmpi ne, %rem3A_21, %ne3A_22 : i32
    %lt3A = arith.constant 0 : i32
    %lt3A_24 = arith.cmpi slt, %rem3A_21, %lt3A : i32
    %lt3A_25 = arith.constant 0 : i32
    %lt3A_26 = arith.cmpi slt, %select_n3A_20, %lt3A_25 : i32
    %ne3A_27 = arith.xori %lt3A_24, %lt3A_26 : i1
    %and3A_28 = arith.andi %ne3A_27, %ne3A_23 : i1
    %add3A_29 = arith.addi %rem3A_21, %select_n3A_20 : i32
    %select_n3A_30 = arith.select %and3A_28, %add3A_29, %rem3A_21 : i32
    %mul3A_31 = arith.constant 512 : i32
    %mul3A_32 = arith.muli %select_n3A_30, %mul3A_31 : i32
    "tpu.region"() ({
      %run_scoped3A = tpu.sem_alloc : memref<!tpu.dma_semaphore, #tpu.memory_space<semaphore_mem>>
      tpu.enqueue_dma source(%arg4 : memref<5x768xf32, #tpu.memory_space<hbm>>) target(%arg6 : memref<5x768xf32, #tpu.memory_space<vmem>>) target_semaphore(%run_scoped3A : memref<!tpu.dma_semaphore, #tpu.memory_space<semaphore_mem>>)
      tpu.wait_dma2 semaphore(%run_scoped3A : memref<!tpu.dma_semaphore, #tpu.memory_space<semaphore_mem>>) src(%arg4 : memref<5x768xf32, #tpu.memory_space<hbm>>) dst(%arg6 : memref<5x768xf32, #tpu.memory_space<vmem>>)
      tpu.yield
    }) : () -> ()
    "tpu.region"() ({
      %run_scoped3A = tpu.sem_alloc : memref<!tpu.dma_semaphore, #tpu.memory_space<semaphore_mem>>
      %dma_start3A = arith.constant 0 : i32
      %dma_start3A_61 = tpu.memref_slice %arg7[%dma_start3A] : memref<528xi32, #tpu.memory_space<vmem>> -> memref<512xi32, #tpu.memory_space<vmem>>
      %dma_start3A_62 = tpu.memref_slice %arg2[%select_n3A, %mul3A_32] : memref<4x4096xi32, #tpu.memory_space<hbm>> -> memref<1x512xi32, #tpu.memory_space<hbm>>
      %dma_start3A_63 = tpu.memref_squeeze %dma_start3A_62 : memref<1x512xi32, #tpu.memory_space<hbm>> -> memref<512xi32, #tpu.memory_space<hbm>>
      %dma_start3A_64 = arith.constant 0 : i32
      %dma_start3A_65 = tpu.memref_slice %arg7[%dma_start3A_64] : memref<528xi32, #tpu.memory_space<vmem>> -> memref<512xi32, #tpu.memory_space<vmem>>
      %dma_start3A_66 = tpu.memref_slice %arg2[%select_n3A, %mul3A_32] : memref<4x4096xi32, #tpu.memory_space<hbm>> -> memref<1x512xi32, #tpu.memory_space<hbm>>
      %dma_start3A_67 = tpu.memref_squeeze %dma_start3A_66 : memref<1x512xi32, #tpu.memory_space<hbm>> -> memref<512xi32, #tpu.memory_space<hbm>>
      tpu.enqueue_dma source(%dma_start3A_67 : memref<512xi32, #tpu.memory_space<hbm>>) target(%dma_start3A_65 : memref<512xi32, #tpu.memory_space<vmem>>) target_semaphore(%run_scoped3A : memref<!tpu.dma_semaphore, #tpu.memory_space<semaphore_mem>>)
      %dma_wait3A_68 = arith.constant 0 : i32
      %dma_wait3A_69 = tpu.memref_slice %arg7[%dma_wait3A_68] : memref<528xi32, #tpu.memory_space<vmem>> -> memref<512xi32, #tpu.memory_space<vmem>>
      %dma_wait3A_70 = tpu.memref_slice %arg2[%select_n3A, %mul3A_32] : memref<4x4096xi32, #tpu.memory_space<hbm>> -> memref<1x512xi32, #tpu.memory_space<hbm>>
      %dma_wait3A_71 = tpu.memref_squeeze %dma_wait3A_70 : memref<1x512xi32, #tpu.memory_space<hbm>> -> memref<512xi32, #tpu.memory_space<hbm>>
      %dma_wait3A_72 = arith.constant 0 : i32
      %dma_wait3A_73 = tpu.memref_slice %arg7[%dma_wait3A_72] : memref<528xi32, #tpu.memory_space<vmem>> -> memref<512xi32, #tpu.memory_space<vmem>>
      %dma_wait3A_74 = tpu.memref_slice %arg2[%select_n3A, %mul3A_32] : memref<4x4096xi32, #tpu.memory_space<hbm>> -> memref<1x512xi32, #tpu.memory_space<hbm>>
      %dma_wait3A_75 = tpu.memref_squeeze %dma_wait3A_74 : memref<1x512xi32, #tpu.memory_space<hbm>> -> memref<512xi32, #tpu.memory_space<hbm>>
      tpu.wait_dma2 semaphore(%run_scoped3A : memref<!tpu.dma_semaphore, #tpu.memory_space<semaphore_mem>>) src(%dma_wait3A_75 : memref<512xi32, #tpu.memory_space<hbm>>) dst(%dma_wait3A_73 : memref<512xi32, #tpu.memory_space<vmem>>)
      tpu.yield
    }) : () -> ()
    "tpu.region"() ({
      %run_scoped3A = tpu.sem_alloc : memref<!tpu.dma_semaphore, #tpu.memory_space<semaphore_mem>>
      %dma_start3A = arith.constant 0 : i32
      %dma_start3A_61 = tpu.memref_slice %arg8[%dma_start3A] : memref<528xf32, #tpu.memory_space<vmem>> -> memref<512xf32, #tpu.memory_space<vmem>>
      %dma_start3A_62 = tpu.memref_slice %arg3[%select_n3A, %mul3A_32] : memref<4x4096xf32, #tpu.memory_space<hbm>> -> memref<1x512xf32, #tpu.memory_space<hbm>>
      %dma_start3A_63 = tpu.memref_squeeze %dma_start3A_62 : memref<1x512xf32, #tpu.memory_space<hbm>> -> memref<512xf32, #tpu.memory_space<hbm>>
      %dma_start3A_64 = arith.constant 0 : i32
      %dma_start3A_65 = tpu.memref_slice %arg8[%dma_start3A_64] : memref<528xf32, #tpu.memory_space<vmem>> -> memref<512xf32, #tpu.memory_space<vmem>>
      %dma_start3A_66 = tpu.memref_slice %arg3[%select_n3A, %mul3A_32] : memref<4x4096xf32, #tpu.memory_space<hbm>> -> memref<1x512xf32, #tpu.memory_space<hbm>>
      %dma_start3A_67 = tpu.memref_squeeze %dma_start3A_66 : memref<1x512xf32, #tpu.memory_space<hbm>> -> memref<512xf32, #tpu.memory_space<hbm>>
      tpu.enqueue_dma source(%dma_start3A_67 : memref<512xf32, #tpu.memory_space<hbm>>) target(%dma_start3A_65 : memref<512xf32, #tpu.memory_space<vmem>>) target_semaphore(%run_scoped3A : memref<!tpu.dma_semaphore, #tpu.memory_space<semaphore_mem>>)
      %dma_wait3A_68 = arith.constant 0 : i32
      %dma_wait3A_69 = tpu.memref_slice %arg8[%dma_wait3A_68] : memref<528xf32, #tpu.memory_space<vmem>> -> memref<512xf32, #tpu.memory_space<vmem>>
      %dma_wait3A_70 = tpu.memref_slice %arg3[%select_n3A, %mul3A_32] : memref<4x4096xf32, #tpu.memory_space<hbm>> -> memref<1x512xf32, #tpu.memory_space<hbm>>
      %dma_wait3A_71 = tpu.memref_squeeze %dma_wait3A_70 : memref<1x512xf32, #tpu.memory_space<hbm>> -> memref<512xf32, #tpu.memory_space<hbm>>
      %dma_wait3A_72 = arith.constant 0 : i32
      %dma_wait3A_73 = tpu.memref_slice %arg8[%dma_wait3A_72] : memref<528xf32, #tpu.memory_space<vmem>> -> memref<512xf32, #tpu.memory_space<vmem>>
      %dma_wait3A_74 = tpu.memref_slice %arg3[%select_n3A, %mul3A_32] : memref<4x4096xf32, #tpu.memory_space<hbm>> -> memref<1x512xf32, #tpu.memory_space<hbm>>
      %dma_wait3A_75 = tpu.memref_squeeze %dma_wait3A_74 : memref<1x512xf32, #tpu.memory_space<hbm>> -> memref<512xf32, #tpu.memory_space<hbm>>
      tpu.wait_dma2 semaphore(%run_scoped3A : memref<!tpu.dma_semaphore, #tpu.memory_space<semaphore_mem>>) src(%dma_wait3A_75 : memref<512xf32, #tpu.memory_space<hbm>>) dst(%dma_wait3A_73 : memref<512xf32, #tpu.memory_space<vmem>>)
      tpu.yield
    }) : () -> ()
    %scan3A = arith.constant 0 : i32
    %scan3A_33 = arith.constant 0 : i32
    %scan3A_34 = arith.constant 8 : i32
    %scan3A_35 = arith.addi %scan3A_33, %scan3A_34 : i32
    %scan3A_36 = arith.constant 1 : i32
    scf.for %scan3A_61 = %scan3A_33 to %scan3A_35 step %scan3A_36  : i32 {
      %rem3A_62 = arith.constant 2 : i32
      %rem3A_63 = arith.remsi %scan3A_61, %rem3A_62 : i32
      %ge3A = arith.constant 2 : i32
      %ge3A_64 = arith.cmpi sge, %scan3A_61, %ge3A : i32
      %convert_element_type3A = arith.extui %ge3A_64 : i1 to i32
      %cond3A = arith.constant 0 : i32
      %cond3A_65 = arith.cmpi ne, %convert_element_type3A, %cond3A : i32
      scf.if %cond3A_65 {
        %eq3A_81 = arith.constant 0 : i32
        %eq3A_82 = arith.cmpi eq, %rem3A_63, %eq3A_81 : i32
        %convert_element_type3A_83 = arith.extui %eq3A_82 : i1 to i32
        %cond3A_84 = arith.constant 0 : i32
        %cond3A_85 = arith.cmpi ne, %convert_element_type3A_83, %cond3A_84 : i32
        scf.if %cond3A_85 {
          %dma_wait3A_91 = arith.constant 0 : i32
          %dma_wait3A_92 = arith.constant 0 : i32
          %dma_wait3A_93 = tpu.memref_slice %arg9[%dma_wait3A_91, %dma_wait3A_92] : memref<128x768xf32, #tpu.memory_space<vmem>> -> memref<64x768xf32, #tpu.memory_space<vmem>>
          %dma_wait3A_94 = arith.constant 0 : i32
          %dma_wait3A_95 = tpu.memref_slice %arg5[%select_n3A, %mul3A_32, %dma_wait3A_94] : memref<4x4096x768xf32, #tpu.memory_space<hbm>> -> memref<1x64x768xf32, #tpu.memory_space<hbm>>
          %dma_wait3A_96 = tpu.memref_squeeze %dma_wait3A_95 : memref<1x64x768xf32, #tpu.memory_space<hbm>> -> memref<64x768xf32, #tpu.memory_space<hbm>>
          %dma_wait3A_97 = arith.constant 0 : i32
          %dma_wait3A_98 = tpu.memref_slice %arg5[%select_n3A, %mul3A_32, %dma_wait3A_97] : memref<4x4096x768xf32, #tpu.memory_space<hbm>> -> memref<1x64x768xf32, #tpu.memory_space<hbm>>
          %dma_wait3A_99 = tpu.memref_squeeze %dma_wait3A_98 : memref<1x64x768xf32, #tpu.memory_space<hbm>> -> memref<64x768xf32, #tpu.memory_space<hbm>>
          %dma_wait3A_100 = arith.constant 0 : i32
          %dma_wait3A_101 = arith.constant 0 : i32
          %dma_wait3A_102 = tpu.memref_slice %arg9[%dma_wait3A_100, %dma_wait3A_101] : memref<128x768xf32, #tpu.memory_space<vmem>> -> memref<64x768xf32, #tpu.memory_space<vmem>>
          tpu.wait_dma2 semaphore(%arg10 : memref<!tpu.dma_semaphore, #tpu.memory_space<semaphore_mem>>) src(%dma_wait3A_102 : memref<64x768xf32, #tpu.memory_space<vmem>>) dst(%dma_wait3A_99 : memref<64x768xf32, #tpu.memory_space<hbm>>)
        } else {
        }
        %eq3A_86 = arith.constant 1 : i32
        %eq3A_87 = arith.cmpi eq, %rem3A_63, %eq3A_86 : i32
        %convert_element_type3A_88 = arith.extui %eq3A_87 : i1 to i32
        %cond3A_89 = arith.constant 0 : i32
        %cond3A_90 = arith.cmpi ne, %convert_element_type3A_88, %cond3A_89 : i32
        scf.if %cond3A_90 {
          %dma_wait3A_91 = arith.constant 64 : i32
          %dma_wait3A_92 = arith.constant 0 : i32
          %dma_wait3A_93 = tpu.memref_slice %arg9[%dma_wait3A_91, %dma_wait3A_92] : memref<128x768xf32, #tpu.memory_space<vmem>> -> memref<64x768xf32, #tpu.memory_space<vmem>>
          %dma_wait3A_94 = arith.constant 0 : i32
          %dma_wait3A_95 = tpu.memref_slice %arg5[%select_n3A, %mul3A_32, %dma_wait3A_94] : memref<4x4096x768xf32, #tpu.memory_space<hbm>> -> memref<1x64x768xf32, #tpu.memory_space<hbm>>
          %dma_wait3A_96 = tpu.memref_squeeze %dma_wait3A_95 : memref<1x64x768xf32, #tpu.memory_space<hbm>> -> memref<64x768xf32, #tpu.memory_space<hbm>>
          %dma_wait3A_97 = arith.constant 0 : i32
          %dma_wait3A_98 = tpu.memref_slice %arg5[%select_n3A, %mul3A_32, %dma_wait3A_97] : memref<4x4096x768xf32, #tpu.memory_space<hbm>> -> memref<1x64x768xf32, #tpu.memory_space<hbm>>
          %dma_wait3A_99 = tpu.memref_squeeze %dma_wait3A_98 : memref<1x64x768xf32, #tpu.memory_space<hbm>> -> memref<64x768xf32, #tpu.memory_space<hbm>>
          %dma_wait3A_100 = arith.constant 64 : i32
          %dma_wait3A_101 = arith.constant 0 : i32
          %dma_wait3A_102 = tpu.memref_slice %arg9[%dma_wait3A_100, %dma_wait3A_101] : memref<128x768xf32, #tpu.memory_space<vmem>> -> memref<64x768xf32, #tpu.memory_space<vmem>>
          tpu.wait_dma2 semaphore(%arg11 : memref<!tpu.dma_semaphore, #tpu.memory_space<semaphore_mem>>) src(%dma_wait3A_102 : memref<64x768xf32, #tpu.memory_space<vmem>>) dst(%dma_wait3A_99 : memref<64x768xf32, #tpu.memory_space<hbm>>)
        } else {
        }
      } else {
      }
      %parallel_loop3A = arith.constant 0 : i32
      %parallel_loop3A_66 = arith.constant 64 : i32
      %parallel_loop3A_67 = arith.constant 1 : i32
      scf.for %parallel_loop3A_81 = %parallel_loop3A to %parallel_loop3A_66 step %parallel_loop3A_67  : i32 {
        %parallel_loop3A_82 = arith.constant 64 : i32
        %parallel_loop3A_83 = arith.muli %scan3A_61, %parallel_loop3A_82 : i32
        %parallel_loop3A_84 = arith.addi %parallel_loop3A_83, %parallel_loop3A_81 : i32
        %parallel_loop3A_85 = arith.index_cast %parallel_loop3A_84 : i32 to index
        %parallel_loop3A_86 = tpu.vector_load %arg7[%parallel_loop3A_85] {strides = array<i32>} : memref<528xi32, #tpu.memory_space<vmem>>, vector<16xi32>,
        %parallel_loop3A_87 = vector.shape_cast %parallel_loop3A_86 : vector<16xi32> to vector<16xi32>
        %parallel_loop3A_88 = vector.extract_strided_slice %parallel_loop3A_87 {offsets = [0], sizes = [1], strides = [1]} : vector<16xi32> to vector<1xi32>
        %parallel_loop3A_89 = vector.extract %parallel_loop3A_88[0] : i32 from vector<1xi32>
        %parallel_loop3A_90 = arith.index_cast %parallel_loop3A_84 : i32 to index
        %parallel_loop3A_91 = tpu.vector_load %arg8[%parallel_loop3A_90] {strides = array<i32>} : memref<528xf32, #tpu.memory_space<vmem>>, vector<16xf32>,
        %parallel_loop3A_92 = vector.shape_cast %parallel_loop3A_91 : vector<16xf32> to vector<16xf32>
        %parallel_loop3A_93 = vector.extract_strided_slice %parallel_loop3A_92 {offsets = [0], sizes = [1], strides = [1]} : vector<16xf32> to vector<1xf32>
        %parallel_loop3A_94 = vector.extract %parallel_loop3A_93[0] : f32 from vector<1xf32>
        %parallel_loop3A_95 = arith.constant 64 : i32
        %parallel_loop3A_96 = arith.muli %rem3A_63, %parallel_loop3A_95 : i32
        %parallel_loop3A_97 = arith.addi %parallel_loop3A_96, %parallel_loop3A_81 : i32
        %parallel_loop3A_98 = arith.index_cast %parallel_loop3A_89 : i32 to index
        %parallel_loop3A_99 = arith.constant 0 : index
        %parallel_loop3A_100 = tpu.vector_load %arg6[%parallel_loop3A_98, %parallel_loop3A_99] {strides = array<i32>} : memref<5x768xf32, #tpu.memory_space<vmem>>, vector<1x16xf32>,
        %parallel_loop3A_101 = vector.shape_cast %parallel_loop3A_100 : vector<1x16xf32> to vector<16xf32>
        %parallel_loop3A_102 = vector.broadcast %parallel_loop3A_94 : f32 to vector<16xf32>
        %parallel_loop3A_103 = arith.mulf %parallel_loop3A_101, %parallel_loop3A_102 : vector<16xf32>
        %parallel_loop3A_104 = arith.index_cast %parallel_loop3A_97 : i32 to index
        %parallel_loop3A_105 = arith.constant 0 : index
        %parallel_loop3A_106 = tpu.vector_load %arg9[%parallel_loop3A_104, %parallel_loop3A_105] {strides = array<i32>} : memref<128x768xf32, #tpu.memory_space<vmem>>, vector<1x16xf32>,
        %parallel_loop3A_107 = vector.shape_cast %parallel_loop3A_106 : vector<1x16xf32> to vector<16xf32>
        %parallel_loop3A_108 = vector.shape_cast %parallel_loop3A_103 : vector<16xf32> to vector<1x16xf32>
        tpu.vector_store %arg9[%parallel_loop3A_104, %parallel_loop3A_105], %parallel_loop3A_108 {strides = array<i32>} : memref<128x768xf32, #tpu.memory_space<vmem>>, vector<1x16xf32>,
        %parallel_loop3A_109 = arith.index_cast %parallel_loop3A_89 : i32 to index
        %parallel_loop3A_110 = arith.constant 16 : index
        %parallel_loop3A_111 = tpu.vector_load %arg6[%parallel_loop3A_109, %parallel_loop3A_110] {strides = array<i32>} : memref<5x768xf32, #tpu.memory_space<vmem>>, vector<1x16xf32>,
        %parallel_loop3A_112 = vector.shape_cast %parallel_loop3A_111 : vector<1x16xf32> to vector<16xf32>
        %parallel_loop3A_113 = vector.broadcast %parallel_loop3A_94 : f32 to vector<16xf32>
        %parallel_loop3A_114 = arith.mulf %parallel_loop3A_112, %parallel_loop3A_113 : vector<16xf32>
        %parallel_loop3A_115 = arith.index_cast %parallel_loop3A_97 : i32 to index
        %parallel_loop3A_116 = arith.constant 16 : index
        %parallel_loop3A_117 = tpu.vector_load %arg9[%parallel_loop3A_115, %parallel_loop3A_116] {strides = array<i32>} : memref<128x768xf32, #tpu.memory_space<vmem>>, vector<1x16xf32>,
        %parallel_loop3A_118 = vector.shape_cast %parallel_loop3A_117 : vector<1x16xf32> to vector<16xf32>
        %parallel_loop3A_119 = vector.shape_cast %parallel_loop3A_114 : vector<16xf32> to vector<1x16xf32>
        tpu.vector_store %arg9[%parallel_loop3A_115, %parallel_loop3A_116], %parallel_loop3A_119 {strides = array<i32>} : memref<128x768xf32, #tpu.memory_space<vmem>>, vector<1x16xf32>,
        %parallel_loop3A_120 = arith.index_cast %parallel_loop3A_89 : i32 to index
        %parallel_loop3A_121 = arith.constant 32 : index
        %parallel_loop3A_122 = tpu.vector_load %arg6[%parallel_loop3A_120, %parallel_loop3A_121] {strides = array<i32>} : memref<5x768xf32, #tpu.memory_space<vmem>>, vector<1x16xf32>,
        %parallel_loop3A_123 = vector.shape_cast %parallel_loop3A_122 : vector<1x16xf32> to vector<16xf32>
        %parallel_loop3A_124 = vector.broadcast %parallel_loop3A_94 : f32 to vector<16xf32>
        %parallel_loop3A_125 = arith.mulf %parallel_loop3A_123, %parallel_loop3A_124 : vector<16xf32>
        %parallel_loop3A_126 = arith.index_cast %parallel_loop3A_97 : i32 to index
        %parallel_loop3A_127 = arith.constant 32 : index
        %parallel_loop3A_128 = tpu.vector_load %arg9[%parallel_loop3A_126, %parallel_loop3A_127] {strides = array<i32>} : memref<128x768xf32, #tpu.memory_space<vmem>>, vector<1x16xf32>,
        %parallel_loop3A_129 = vector.shape_cast %parallel_loop3A_128 : vector<1x16xf32> to vector<16xf32>
        %parallel_loop3A_130 = vector.shape_cast %parallel_loop3A_125 : vector<16xf32> to vector<1x16xf32>
        tpu.vector_store %arg9[%parallel_loop3A_126, %parallel_loop3A_127], %parallel_loop3A_130 {strides = array<i32>} : memref<128x768xf32, #tpu.memory_space<vmem>>, vector<1x16xf32>,
        %parallel_loop3A_131 = arith.index_cast %parallel_loop3A_89 : i32 to index
        %parallel_loop3A_132 = arith.constant 48 : index
        %parallel_loop3A_133 = tpu.vector_load %arg6[%parallel_loop3A_131, %parallel_loop3A_132] {strides = array<i32>} : memref<5x768xf32, #tpu.memory_space<vmem>>, vector<1x16xf32>,
        %parallel_loop3A_134 = vector.shape_cast %parallel_loop3A_133 : vector<1x16xf32> to vector<16xf32>
        %parallel_loop3A_135 = vector.broadcast %parallel_loop3A_94 : f32 to vector<16xf32>
        %parallel_loop3A_136 = arith.mulf %parallel_loop3A_134, %parallel_loop3A_135 : vector<16xf32>
        %parallel_loop3A_137 = arith.index_cast %parallel_loop3A_97 : i32 to index
        %parallel_loop3A_138 = arith.constant 48 : index
        %parallel_loop3A_139 = tpu.vector_load %arg9[%parallel_loop3A_137, %parallel_loop3A_138] {strides = array<i32>} : memref<128x768xf32, #tpu.memory_space<vmem>>, vector<1x16xf32>,
        %parallel_loop3A_140 = vector.shape_cast %parallel_loop3A_139 : vector<1x16xf32> to vector<16xf32>
        %parallel_loop3A_141 = vector.shape_cast %parallel_loop3A_136 : vector<16xf32> to vector<1x16xf32>
        tpu.vector_store %arg9[%parallel_loop3A_137, %parallel_loop3A_138], %parallel_loop3A_141 {strides = array<i32>} : memref<128x768xf32, #tpu.memory_space<vmem>>, vector<1x16xf32>,
        %parallel_loop3A_142 = arith.index_cast %parallel_loop3A_89 : i32 to index
        %parallel_loop3A_143 = arith.constant 64 : index
        %parallel_loop3A_144 = tpu.vector_load %arg6[%parallel_loop3A_142, %parallel_loop3A_143] {strides = array<i32>} : memref<5x768xf32, #tpu.memory_space<vmem>>, vector<1x16xf32>,
        %parallel_loop3A_145 = vector.shape_cast %parallel_loop3A_144 : vector<1x16xf32> to vector<16xf32>
        %parallel_loop3A_146 = vector.broadcast %parallel_loop3A_94 : f32 to vector<16xf32>
        %parallel_loop3A_147 = arith.mulf %parallel_loop3A_145, %parallel_loop3A_146 : vector<16xf32>
        %parallel_loop3A_148 = arith.index_cast %parallel_loop3A_97 : i32 to index
        %parallel_loop3A_149 = arith.constant 64 : index
        %parallel_loop3A_150 = tpu.vector_load %arg9[%parallel_loop3A_148, %parallel_loop3A_149] {strides = array<i32>} : memref<128x768xf32, #tpu.memory_space<vmem>>, vector<1x16xf32>,
        %parallel_loop3A_151 = vector.shape_cast %parallel_loop3A_150 : vector<1x16xf32> to vector<16xf32>
        %parallel_loop3A_152 = vector.shape_cast %parallel_loop3A_147 : vector<16xf32> to vector<1x16xf32>
        tpu.vector_store %arg9[%parallel_loop3A_148, %parallel_loop3A_149], %parallel_loop3A_152 {strides = array<i32>} : memref<128x768xf32, #tpu.memory_space<vmem>>, vector<1x16xf32>,
        %parallel_loop3A_153 = arith.index_cast %parallel_loop3A_89 : i32 to index
        %parallel_loop3A_154 = arith.constant 80 : index
        %parallel_loop3A_155 = tpu.vector_load %arg6[%parallel_loop3A_153, %parallel_loop3A_154] {strides = array<i32>} : memref<5x768xf32, #tpu.memory_space<vmem>>, vector<1x16xf32>,
        %parallel_loop3A_156 = vector.shape_cast %parallel_loop3A_155 : vector<1x16xf32> to vector<16xf32>
        %parallel_loop3A_157 = vector.broadcast %parallel_loop3A_94 : f32 to vector<16xf32>
        %parallel_loop3A_158 = arith.mulf %parallel_loop3A_156, %parallel_loop3A_157 : vector<16xf32>
        %parallel_loop3A_159 = arith.index_cast %parallel_loop3A_97 : i32 to index
        %parallel_loop3A_160 = arith.constant 80 : index
        %parallel_loop3A_161 = tpu.vector_load %arg9[%parallel_loop3A_159, %parallel_loop3A_160] {strides = array<i32>} : memref<128x768xf32, #tpu.memory_space<vmem>>, vector<1x16xf32>,
        %parallel_loop3A_162 = vector.shape_cast %parallel_loop3A_161 : vector<1x16xf32> to vector<16xf32>
        %parallel_loop3A_163 = vector.shape_cast %parallel_loop3A_158 : vector<16xf32> to vector<1x16xf32>
        tpu.vector_store %arg9[%parallel_loop3A_159, %parallel_loop3A_160], %parallel_loop3A_163 {strides = array<i32>} : memref<128x768xf32, #tpu.memory_space<vmem>>, vector<1x16xf32>,
        %parallel_loop3A_164 = arith.index_cast %parallel_loop3A_89 : i32 to index
        %parallel_loop3A_165 = arith.constant 96 : index
        %parallel_loop3A_166 = tpu.vector_load %arg6[%parallel_loop3A_164, %parallel_loop3A_165] {strides = array<i32>} : memref<5x768xf32, #tpu.memory_space<vmem>>, vector<1x16xf32>,
        %parallel_loop3A_167 = vector.shape_cast %parallel_loop3A_166 : vector<1x16xf32> to vector<16xf32>
        %parallel_loop3A_168 = vector.broadcast %parallel_loop3A_94 : f32 to vector<16xf32>
        %parallel_loop3A_169 = arith.mulf %parallel_loop3A_167, %parallel_loop3A_168 : vector<16xf32>
        %parallel_loop3A_170 = arith.index_cast %parallel_loop3A_97 : i32 to index
        %parallel_loop3A_171 = arith.constant 96 : index
        %parallel_loop3A_172 = tpu.vector_load %arg9[%parallel_loop3A_170, %parallel_loop3A_171] {strides = array<i32>} : memref<128x768xf32, #tpu.memory_space<vmem>>, vector<1x16xf32>,
        %parallel_loop3A_173 = vector.shape_cast %parallel_loop3A_172 : vector<1x16xf32> to vector<16xf32>
        %parallel_loop3A_174 = vector.shape_cast %parallel_loop3A_169 : vector<16xf32> to vector<1x16xf32>
        tpu.vector_store %arg9[%parallel_loop3A_170, %parallel_loop3A_171], %parallel_loop3A_174 {strides = array<i32>} : memref<128x768xf32, #tpu.memory_space<vmem>>, vector<1x16xf32>,
        %parallel_loop3A_175 = arith.index_cast %parallel_loop3A_89 : i32 to index
        %parallel_loop3A_176 = arith.constant 112 : index
        %parallel_loop3A_177 = tpu.vector_load %arg6[%parallel_loop3A_175, %parallel_loop3A_176] {strides = array<i32>} : memref<5x768xf32, #tpu.memory_space<vmem>>, vector<1x16xf32>,
        %parallel_loop3A_178 = vector.shape_cast %parallel_loop3A_177 : vector<1x16xf32> to vector<16xf32>
        %parallel_loop3A_179 = vector.broadcast %parallel_loop3A_94 : f32 to vector<16xf32>
        %parallel_loop3A_180 = arith.mulf %parallel_loop3A_178, %parallel_loop3A_179 : vector<16xf32>
        %parallel_loop3A_181 = arith.index_cast %parallel_loop3A_97 : i32 to index
        %parallel_loop3A_182 = arith.constant 112 : index
        %parallel_loop3A_183 = tpu.vector_load %arg9[%parallel_loop3A_181, %parallel_loop3A_182] {strides = array<i32>} : memref<128x768xf32, #tpu.memory_space<vmem>>, vector<1x16xf32>,
        %parallel_loop3A_184 = vector.shape_cast %parallel_loop3A_183 : vector<1x16xf32> to vector<16xf32>
        %parallel_loop3A_185 = vector.shape_cast %parallel_loop3A_180 : vector<16xf32> to vector<1x16xf32>
        tpu.vector_store %arg9[%parallel_loop3A_181, %parallel_loop3A_182], %parallel_loop3A_185 {strides = array<i32>} : memref<128x768xf32, #tpu.memory_space<vmem>>, vector<1x16xf32>,
        %parallel_loop3A_186 = arith.index_cast %parallel_loop3A_89 : i32 to index
        %parallel_loop3A_187 = arith.constant 128 : index
        %parallel_loop3A_188 = tpu.vector_load %arg6[%parallel_loop3A_186, %parallel_loop3A_187] {strides = array<i32>} : memref<5x768xf32, #tpu.memory_space<vmem>>, vector<1x16xf32>,
        %parallel_loop3A_189 = vector.shape_cast %parallel_loop3A_188 : vector<1x16xf32> to vector<16xf32>
        %parallel_loop3A_190 = vector.broadcast %parallel_loop3A_94 : f32 to vector<16xf32>
        %parallel_loop3A_191 = arith.mulf %parallel_loop3A_189, %parallel_loop3A_190 : vector<16xf32>
        %parallel_loop3A_192 = arith.index_cast %parallel_loop3A_97 : i32 to index
        %parallel_loop3A_193 = arith.constant 128 : index
        %parallel_loop3A_194 = tpu.vector_load %arg9[%parallel_loop3A_192, %parallel_loop3A_193] {strides = array<i32>} : memref<128x768xf32, #tpu.memory_space<vmem>>, vector<1x16xf32>,
        %parallel_loop3A_195 = vector.shape_cast %parallel_loop3A_194 : vector<1x16xf32> to vector<16xf32>
        %parallel_loop3A_196 = vector.shape_cast %parallel_loop3A_191 : vector<16xf32> to vector<1x16xf32>
        tpu.vector_store %arg9[%parallel_loop3A_192, %parallel_loop3A_193], %parallel_loop3A_196 {strides = array<i32>} : memref<128x768xf32, #tpu.memory_space<vmem>>, vector<1x16xf32>,
        %parallel_loop3A_197 = arith.index_cast %parallel_loop3A_89 : i32 to index
        %parallel_loop3A_198 = arith.constant 144 : index
        %parallel_loop3A_199 = tpu.vector_load %arg6[%parallel_loop3A_197, %parallel_loop3A_198] {strides = array<i32>} : memref<5x768xf32, #tpu.memory_space<vmem>>, vector<1x16xf32>,
        %parallel_loop3A_200 = vector.shape_cast %parallel_loop3A_199 : vector<1x16xf32> to vector<16xf32>
        %parallel_loop3A_201 = vector.broadcast %parallel_loop3A_94 : f32 to vector<16xf32>
        %parallel_loop3A_202 = arith.mulf %parallel_loop3A_200, %parallel_loop3A_201 : vector<16xf32>
        %parallel_loop3A_203 = arith.index_cast %parallel_loop3A_97 : i32 to index
        %parallel_loop3A_204 = arith.constant 144 : index
        %parallel_loop3A_205 = tpu.vector_load %arg9[%parallel_loop3A_203, %parallel_loop3A_204] {strides = array<i32>} : memref<128x768xf32, #tpu.memory_space<vmem>>, vector<1x16xf32>,
        %parallel_loop3A_206 = vector.shape_cast %parallel_loop3A_205 : vector<1x16xf32> to vector<16xf32>
        %parallel_loop3A_207 = vector.shape_cast %parallel_loop3A_202 : vector<16xf32> to vector<1x16xf32>
        tpu.vector_store %arg9[%parallel_loop3A_203, %parallel_loop3A_204], %parallel_loop3A_207 {strides = array<i32>} : memref<128x768xf32, #tpu.memory_space<vmem>>, vector<1x16xf32>,
        %parallel_loop3A_208 = arith.index_cast %parallel_loop3A_89 : i32 to index
        %parallel_loop3A_209 = arith.constant 160 : index
        %parallel_loop3A_210 = tpu.vector_load %arg6[%parallel_loop3A_208, %parallel_loop3A_209] {strides = array<i32>} : memref<5x768xf32, #tpu.memory_space<vmem>>, vector<1x16xf32>,
        %parallel_loop3A_211 = vector.shape_cast %parallel_loop3A_210 : vector<1x16xf32> to vector<16xf32>
        %parallel_loop3A_212 = vector.broadcast %parallel_loop3A_94 : f32 to vector<16xf32>
        %parallel_loop3A_213 = arith.mulf %parallel_loop3A_211, %parallel_loop3A_212 : vector<16xf32>
        %parallel_loop3A_214 = arith.index_cast %parallel_loop3A_97 : i32 to index
        %parallel_loop3A_215 = arith.constant 160 : index
        %parallel_loop3A_216 = tpu.vector_load %arg9[%parallel_loop3A_214, %parallel_loop3A_215] {strides = array<i32>} : memref<128x768xf32, #tpu.memory_space<vmem>>, vector<1x16xf32>,
        %parallel_loop3A_217 = vector.shape_cast %parallel_loop3A_216 : vector<1x16xf32> to vector<16xf32>
        %parallel_loop3A_218 = vector.shape_cast %parallel_loop3A_213 : vector<16xf32> to vector<1x16xf32>
        tpu.vector_store %arg9[%parallel_loop3A_214, %parallel_loop3A_215], %parallel_loop3A_218 {strides = array<i32>} : memref<128x768xf32, #tpu.memory_space<vmem>>, vector<1x16xf32>,
        %parallel_loop3A_219 = arith.index_cast %parallel_loop3A_89 : i32 to index
        %parallel_loop3A_220 = arith.constant 176 : index
        %parallel_loop3A_221 = tpu.vector_load %arg6[%parallel_loop3A_219, %parallel_loop3A_220] {strides = array<i32>} : memref<5x768xf32, #tpu.memory_space<vmem>>, vector<1x16xf32>,
        %parallel_loop3A_222 = vector.shape_cast %parallel_loop3A_221 : vector<1x16xf32> to vector<16xf32>
        %parallel_loop3A_223 = vector.broadcast %parallel_loop3A_94 : f32 to vector<16xf32>
        %parallel_loop3A_224 = arith.mulf %parallel_loop3A_222, %parallel_loop3A_223 : vector<16xf32>
        %parallel_loop3A_225 = arith.index_cast %parallel_loop3A_97 : i32 to index
        %parallel_loop3A_226 = arith.constant 176 : index
        %parallel_loop3A_227 = tpu.vector_load %arg9[%parallel_loop3A_225, %parallel_loop3A_226] {strides = array<i32>} : memref<128x768xf32, #tpu.memory_space<vmem>>, vector<1x16xf32>,
        %parallel_loop3A_228 = vector.shape_cast %parallel_loop3A_227 : vector<1x16xf32> to vector<16xf32>
        %parallel_loop3A_229 = vector.shape_cast %parallel_loop3A_224 : vector<16xf32> to vector<1x16xf32>
        tpu.vector_store %arg9[%parallel_loop3A_225, %parallel_loop3A_226], %parallel_loop3A_229 {strides = array<i32>} : memref<128x768xf32, #tpu.memory_space<vmem>>, vector<1x16xf32>,
        %parallel_loop3A_230 = arith.index_cast %parallel_loop3A_89 : i32 to index
        %parallel_loop3A_231 = arith.constant 192 : index
        %parallel_loop3A_232 = tpu.vector_load %arg6[%parallel_loop3A_230, %parallel_loop3A_231] {strides = array<i32>} : memref<5x768xf32, #tpu.memory_space<vmem>>, vector<1x16xf32>,
        %parallel_loop3A_233 = vector.shape_cast %parallel_loop3A_232 : vector<1x16xf32> to vector<16xf32>
        %parallel_loop3A_234 = vector.broadcast %parallel_loop3A_94 : f32 to vector<16xf32>
        %parallel_loop3A_235 = arith.mulf %parallel_loop3A_233, %parallel_loop3A_234 : vector<16xf32>
        %parallel_loop3A_236 = arith.index_cast %parallel_loop3A_97 : i32 to index
        %parallel_loop3A_237 = arith.constant 192 : index
        %parallel_loop3A_238 = tpu.vector_load %arg9[%parallel_loop3A_236, %parallel_loop3A_237] {strides = array<i32>} : memref<128x768xf32, #tpu.memory_space<vmem>>, vector<1x16xf32>,
        %parallel_loop3A_239 = vector.shape_cast %parallel_loop3A_238 : vector<1x16xf32> to vector<16xf32>
        %parallel_loop3A_240 = vector.shape_cast %parallel_loop3A_235 : vector<16xf32> to vector<1x16xf32>
        tpu.vector_store %arg9[%parallel_loop3A_236, %parallel_loop3A_237], %parallel_loop3A_240 {strides = array<i32>} : memref<128x768xf32, #tpu.memory_space<vmem>>, vector<1x16xf32>,
        %parallel_loop3A_241 = arith.index_cast %parallel_loop3A_89 : i32 to index
        %parallel_loop3A_242 = arith.constant 208 : index
        %parallel_loop3A_243 = tpu.vector_load %arg6[%parallel_loop3A_241, %parallel_loop3A_242] {strides = array<i32>} : memref<5x768xf32, #tpu.memory_space<vmem>>, vector<1x16xf32>,
        %parallel_loop3A_244 = vector.shape_cast %parallel_loop3A_243 : vector<1x16xf32> to vector<16xf32>
        %parallel_loop3A_245 = vector.broadcast %parallel_loop3A_94 : f32 to vector<16xf32>
        %parallel_loop3A_246 = arith.mulf %parallel_loop3A_244, %parallel_loop3A_245 : vector<16xf32>
        %parallel_loop3A_247 = arith.index_cast %parallel_loop3A_97 : i32 to index
        %parallel_loop3A_248 = arith.constant 208 : index
        %parallel_loop3A_249 = tpu.vector_load %arg9[%parallel_loop3A_247, %parallel_loop3A_248] {strides = array<i32>} : memref<128x768xf32, #tpu.memory_space<vmem>>, vector<1x16xf32>,
        %parallel_loop3A_250 = vector.shape_cast %parallel_loop3A_249 : vector<1x16xf32> to vector<16xf32>
        %parallel_loop3A_251 = vector.shape_cast %parallel_loop3A_246 : vector<16xf32> to vector<1x16xf32>
        tpu.vector_store %arg9[%parallel_loop3A_247, %parallel_loop3A_248], %parallel_loop3A_251 {strides = array<i32>} : memref<128x768xf32, #tpu.memory_space<vmem>>, vector<1x16xf32>,
        %parallel_loop3A_252 = arith.index_cast %parallel_loop3A_89 : i32 to index
        %parallel_loop3A_253 = arith.constant 224 : index
        %parallel_loop3A_254 = tpu.vector_load %arg6[%parallel_loop3A_252, %parallel_loop3A_253] {strides = array<i32>} : memref<5x768xf32, #tpu.memory_space<vmem>>, vector<1x16xf32>,
        %parallel_loop3A_255 = vector.shape_cast %parallel_loop3A_254 : vector<1x16xf32> to vector<16xf32>
        %parallel_loop3A_256 = vector.broadcast %parallel_loop3A_94 : f32 to vector<16xf32>
        %parallel_loop3A_257 = arith.mulf %parallel_loop3A_255, %parallel_loop3A_256 : vector<16xf32>
        %parallel_loop3A_258 = arith.index_cast %parallel_loop3A_97 : i32 to index
        %parallel_loop3A_259 = arith.constant 224 : index
        %parallel_loop3A_260 = tpu.vector_load %arg9[%parallel_loop3A_258, %parallel_loop3A_259] {strides = array<i32>} : memref<128x768xf32, #tpu.memory_space<vmem>>, vector<1x16xf32>,
        %parallel_loop3A_261 = vector.shape_cast %parallel_loop3A_260 : vector<1x16xf32> to vector<16xf32>
        %parallel_loop3A_262 = vector.shape_cast %parallel_loop3A_257 : vector<16xf32> to vector<1x16xf32>
        tpu.vector_store %arg9[%parallel_loop3A_258, %parallel_loop3A_259], %parallel_loop3A_262 {strides = array<i32>} : memref<128x768xf32, #tpu.memory_space<vmem>>, vector<1x16xf32>,
        %parallel_loop3A_263 = arith.index_cast %parallel_loop3A_89 : i32 to index
        %parallel_loop3A_264 = arith.constant 240 : index
        %parallel_loop3A_265 = tpu.vector_load %arg6[%parallel_loop3A_263, %parallel_loop3A_264] {strides = array<i32>} : memref<5x768xf32, #tpu.memory_space<vmem>>, vector<1x16xf32>,
        %parallel_loop3A_266 = vector.shape_cast %parallel_loop3A_265 : vector<1x16xf32> to vector<16xf32>
        %parallel_loop3A_267 = vector.broadcast %parallel_loop3A_94 : f32 to vector<16xf32>
        %parallel_loop3A_268 = arith.mulf %parallel_loop3A_266, %parallel_loop3A_267 : vector<16xf32>
        %parallel_loop3A_269 = arith.index_cast %parallel_loop3A_97 : i32 to index
        %parallel_loop3A_270 = arith.constant 240 : index
        %parallel_loop3A_271 = tpu.vector_load %arg9[%parallel_loop3A_269, %parallel_loop3A_270] {strides = array<i32>} : memref<128x768xf32, #tpu.memory_space<vmem>>, vector<1x16xf32>,
        %parallel_loop3A_272 = vector.shape_cast %parallel_loop3A_271 : vector<1x16xf32> to vector<16xf32>
        %parallel_loop3A_273 = vector.shape_cast %parallel_loop3A_268 : vector<16xf32> to vector<1x16xf32>
        tpu.vector_store %arg9[%parallel_loop3A_269, %parallel_loop3A_270], %parallel_loop3A_273 {strides = array<i32>} : memref<128x768xf32, #tpu.memory_space<vmem>>, vector<1x16xf32>,
        %parallel_loop3A_274 = arith.index_cast %parallel_loop3A_89 : i32 to index
        %parallel_loop3A_275 = arith.constant 256 : index
        %parallel_loop3A_276 = tpu.vector_load %arg6[%parallel_loop3A_274, %parallel_loop3A_275] {strides = array<i32>} : memref<5x768xf32, #tpu.memory_space<vmem>>, vector<1x16xf32>,
        %parallel_loop3A_277 = vector.shape_cast %parallel_loop3A_276 : vector<1x16xf32> to vector<16xf32>
        %parallel_loop3A_278 = vector.broadcast %parallel_loop3A_94 : f32 to vector<16xf32>
        %parallel_loop3A_279 = arith.mulf %parallel_loop3A_277, %parallel_loop3A_278 : vector<16xf32>
        %parallel_loop3A_280 = arith.index_cast %parallel_loop3A_97 : i32 to index
        %parallel_loop3A_281 = arith.constant 256 : index
        %parallel_loop3A_282 = tpu.vector_load %arg9[%parallel_loop3A_280, %parallel_loop3A_281] {strides = array<i32>} : memref<128x768xf32, #tpu.memory_space<vmem>>, vector<1x16xf32>,
        %parallel_loop3A_283 = vector.shape_cast %parallel_loop3A_282 : vector<1x16xf32> to vector<16xf32>
        %parallel_loop3A_284 = vector.shape_cast %parallel_loop3A_279 : vector<16xf32> to vector<1x16xf32>
        tpu.vector_store %arg9[%parallel_loop3A_280, %parallel_loop3A_281], %parallel_loop3A_284 {strides = array<i32>} : memref<128x768xf32, #tpu.memory_space<vmem>>, vector<1x16xf32>,
        %parallel_loop3A_285 = arith.index_cast %parallel_loop3A_89 : i32 to index
        %parallel_loop3A_286 = arith.constant 272 : index
        %parallel_loop3A_287 = tpu.vector_load %arg6[%parallel_loop3A_285, %parallel_loop3A_286] {strides = array<i32>} : memref<5x768xf32, #tpu.memory_space<vmem>>, vector<1x16xf32>,
        %parallel_loop3A_288 = vector.shape_cast %parallel_loop3A_287 : vector<1x16xf32> to vector<16xf32>
        %parallel_loop3A_289 = vector.broadcast %parallel_loop3A_94 : f32 to vector<16xf32>
        %parallel_loop3A_290 = arith.mulf %parallel_loop3A_288, %parallel_loop3A_289 : vector<16xf32>
        %parallel_loop3A_291 = arith.index_cast %parallel_loop3A_97 : i32 to index
        %parallel_loop3A_292 = arith.constant 272 : index
        %parallel_loop3A_293 = tpu.vector_load %arg9[%parallel_loop3A_291, %parallel_loop3A_292] {strides = array<i32>} : memref<128x768xf32, #tpu.memory_space<vmem>>, vector<1x16xf32>,
        %parallel_loop3A_294 = vector.shape_cast %parallel_loop3A_293 : vector<1x16xf32> to vector<16xf32>
        %parallel_loop3A_295 = vector.shape_cast %parallel_loop3A_290 : vector<16xf32> to vector<1x16xf32>
        tpu.vector_store %arg9[%parallel_loop3A_291, %parallel_loop3A_292], %parallel_loop3A_295 {strides = array<i32>} : memref<128x768xf32, #tpu.memory_space<vmem>>, vector<1x16xf32>,
        %parallel_loop3A_296 = arith.index_cast %parallel_loop3A_89 : i32 to index
        %parallel_loop3A_297 = arith.constant 288 : index
        %parallel_loop3A_298 = tpu.vector_load %arg6[%parallel_loop3A_296, %parallel_loop3A_297] {strides = array<i32>} : memref<5x768xf32, #tpu.memory_space<vmem>>, vector<1x16xf32>,
        %parallel_loop3A_299 = vector.shape_cast %parallel_loop3A_298 : vector<1x16xf32> to vector<16xf32>
        %parallel_loop3A_300 = vector.broadcast %parallel_loop3A_94 : f32 to vector<16xf32>
        %parallel_loop3A_301 = arith.mulf %parallel_loop3A_299, %parallel_loop3A_300 : vector<16xf32>
        %parallel_loop3A_302 = arith.index_cast %parallel_loop3A_97 : i32 to index
        %parallel_loop3A_303 = arith.constant 288 : index
        %parallel_loop3A_304 = tpu.vector_load %arg9[%parallel_loop3A_302, %parallel_loop3A_303] {strides = array<i32>} : memref<128x768xf32, #tpu.memory_space<vmem>>, vector<1x16xf32>,
        %parallel_loop3A_305 = vector.shape_cast %parallel_loop3A_304 : vector<1x16xf32> to vector<16xf32>
        %parallel_loop3A_306 = vector.shape_cast %parallel_loop3A_301 : vector<16xf32> to vector<1x16xf32>
        tpu.vector_store %arg9[%parallel_loop3A_302, %parallel_loop3A_303], %parallel_loop3A_306 {strides = array<i32>} : memref<128x768xf32, #tpu.memory_space<vmem>>, vector<1x16xf32>,
        %parallel_loop3A_307 = arith.index_cast %parallel_loop3A_89 : i32 to index
        %parallel_loop3A_308 = arith.constant 304 : index
        %parallel_loop3A_309 = tpu.vector_load %arg6[%parallel_loop3A_307, %parallel_loop3A_308] {strides = array<i32>} : memref<5x768xf32, #tpu.memory_space<vmem>>, vector<1x16xf32>,
        %parallel_loop3A_310 = vector.shape_cast %parallel_loop3A_309 : vector<1x16xf32> to vector<16xf32>
        %parallel_loop3A_311 = vector.broadcast %parallel_loop3A_94 : f32 to vector<16xf32>
        %parallel_loop3A_312 = arith.mulf %parallel_loop3A_310, %parallel_loop3A_311 : vector<16xf32>
        %parallel_loop3A_313 = arith.index_cast %parallel_loop3A_97 : i32 to index
        %parallel_loop3A_314 = arith.constant 304 : index
        %parallel_loop3A_315 = tpu.vector_load %arg9[%parallel_loop3A_313, %parallel_loop3A_314] {strides = array<i32>} : memref<128x768xf32, #tpu.memory_space<vmem>>, vector<1x16xf32>,
        %parallel_loop3A_316 = vector.shape_cast %parallel_loop3A_315 : vector<1x16xf32> to vector<16xf32>
        %parallel_loop3A_317 = vector.shape_cast %parallel_loop3A_312 : vector<16xf32> to vector<1x16xf32>
        tpu.vector_store %arg9[%parallel_loop3A_313, %parallel_loop3A_314], %parallel_loop3A_317 {strides = array<i32>} : memref<128x768xf32, #tpu.memory_space<vmem>>, vector<1x16xf32>,
        %parallel_loop3A_318 = arith.index_cast %parallel_loop3A_89 : i32 to index
        %parallel_loop3A_319 = arith.constant 320 : index
        %parallel_loop3A_320 = tpu.vector_load %arg6[%parallel_loop3A_318, %parallel_loop3A_319] {strides = array<i32>} : memref<5x768xf32, #tpu.memory_space<vmem>>, vector<1x16xf32>,
        %parallel_loop3A_321 = vector.shape_cast %parallel_loop3A_320 : vector<1x16xf32> to vector<16xf32>
        %parallel_loop3A_322 = vector.broadcast %parallel_loop3A_94 : f32 to vector<16xf32>
        %parallel_loop3A_323 = arith.mulf %parallel_loop3A_321, %parallel_loop3A_322 : vector<16xf32>
        %parallel_loop3A_324 = arith.index_cast %parallel_loop3A_97 : i32 to index
        %parallel_loop3A_325 = arith.constant 320 : index
        %parallel_loop3A_326 = tpu.vector_load %arg9[%parallel_loop3A_324, %parallel_loop3A_325] {strides = array<i32>} : memref<128x768xf32, #tpu.memory_space<vmem>>, vector<1x16xf32>,
        %parallel_loop3A_327 = vector.shape_cast %parallel_loop3A_326 : vector<1x16xf32> to vector<16xf32>
        %parallel_loop3A_328 = vector.shape_cast %parallel_loop3A_323 : vector<16xf32> to vector<1x16xf32>
        tpu.vector_store %arg9[%parallel_loop3A_324, %parallel_loop3A_325], %parallel_loop3A_328 {strides = array<i32>} : memref<128x768xf32, #tpu.memory_space<vmem>>, vector<1x16xf32>,
        %parallel_loop3A_329 = arith.index_cast %parallel_loop3A_89 : i32 to index
        %parallel_loop3A_330 = arith.constant 336 : index
        %parallel_loop3A_331 = tpu.vector_load %arg6[%parallel_loop3A_329, %parallel_loop3A_330] {strides = array<i32>} : memref<5x768xf32, #tpu.memory_space<vmem>>, vector<1x16xf32>,
        %parallel_loop3A_332 = vector.shape_cast %parallel_loop3A_331 : vector<1x16xf32> to vector<16xf32>
        %parallel_loop3A_333 = vector.broadcast %parallel_loop3A_94 : f32 to vector<16xf32>
        %parallel_loop3A_334 = arith.mulf %parallel_loop3A_332, %parallel_loop3A_333 : vector<16xf32>
        %parallel_loop3A_335 = arith.index_cast %parallel_loop3A_97 : i32 to index
        %parallel_loop3A_336 = arith.constant 336 : index
        %parallel_loop3A_337 = tpu.vector_load %arg9[%parallel_loop3A_335, %parallel_loop3A_336] {strides = array<i32>} : memref<128x768xf32, #tpu.memory_space<vmem>>, vector<1x16xf32>,
        %parallel_loop3A_338 = vector.shape_cast %parallel_loop3A_337 : vector<1x16xf32> to vector<16xf32>
        %parallel_loop3A_339 = vector.shape_cast %parallel_loop3A_334 : vector<16xf32> to vector<1x16xf32>
        tpu.vector_store %arg9[%parallel_loop3A_335, %parallel_loop3A_336], %parallel_loop3A_339 {strides = array<i32>} : memref<128x768xf32, #tpu.memory_space<vmem>>, vector<1x16xf32>,
        %parallel_loop3A_340 = arith.index_cast %parallel_loop3A_89 : i32 to index
        %parallel_loop3A_341 = arith.constant 352 : index
        %parallel_loop3A_342 = tpu.vector_load %arg6[%parallel_loop3A_340, %parallel_loop3A_341] {strides = array<i32>} : memref<5x768xf32, #tpu.memory_space<vmem>>, vector<1x16xf32>,
        %parallel_loop3A_343 = vector.shape_cast %parallel_loop3A_342 : vector<1x16xf32> to vector<16xf32>
        %parallel_loop3A_344 = vector.broadcast %parallel_loop3A_94 : f32 to vector<16xf32>
        %parallel_loop3A_345 = arith.mulf %parallel_loop3A_343, %parallel_loop3A_344 : vector<16xf32>
        %parallel_loop3A_346 = arith.index_cast %parallel_loop3A_97 : i32 to index
        %parallel_loop3A_347 = arith.constant 352 : index
        %parallel_loop3A_348 = tpu.vector_load %arg9[%parallel_loop3A_346, %parallel_loop3A_347] {strides = array<i32>} : memref<128x768xf32, #tpu.memory_space<vmem>>, vector<1x16xf32>,
        %parallel_loop3A_349 = vector.shape_cast %parallel_loop3A_348 : vector<1x16xf32> to vector<16xf32>
        %parallel_loop3A_350 = vector.shape_cast %parallel_loop3A_345 : vector<16xf32> to vector<1x16xf32>
        tpu.vector_store %arg9[%parallel_loop3A_346, %parallel_loop3A_347], %parallel_loop3A_350 {strides = array<i32>} : memref<128x768xf32, #tpu.memory_space<vmem>>, vector<1x16xf32>,
        %parallel_loop3A_351 = arith.index_cast %parallel_loop3A_89 : i32 to index
        %parallel_loop3A_352 = arith.constant 368 : index
        %parallel_loop3A_353 = tpu.vector_load %arg6[%parallel_loop3A_351, %parallel_loop3A_352] {strides = array<i32>} : memref<5x768xf32, #tpu.memory_space<vmem>>, vector<1x16xf32>,
        %parallel_loop3A_354 = vector.shape_cast %parallel_loop3A_353 : vector<1x16xf32> to vector<16xf32>
        %parallel_loop3A_355 = vector.broadcast %parallel_loop3A_94 : f32 to vector<16xf32>
        %parallel_loop3A_356 = arith.mulf %parallel_loop3A_354, %parallel_loop3A_355 : vector<16xf32>
        %parallel_loop3A_357 = arith.index_cast %parallel_loop3A_97 : i32 to index
        %parallel_loop3A_358 = arith.constant 368 : index
        %parallel_loop3A_359 = tpu.vector_load %arg9[%parallel_loop3A_357, %parallel_loop3A_358] {strides = array<i32>} : memref<128x768xf32, #tpu.memory_space<vmem>>, vector<1x16xf32>,
        %parallel_loop3A_360 = vector.shape_cast %parallel_loop3A_359 : vector<1x16xf32> to vector<16xf32>
        %parallel_loop3A_361 = vector.shape_cast %parallel_loop3A_356 : vector<16xf32> to vector<1x16xf32>
        tpu.vector_store %arg9[%parallel_loop3A_357, %parallel_loop3A_358], %parallel_loop3A_361 {strides = array<i32>} : memref<128x768xf32, #tpu.memory_space<vmem>>, vector<1x16xf32>,
        %parallel_loop3A_362 = arith.index_cast %parallel_loop3A_89 : i32 to index
        %parallel_loop3A_363 = arith.constant 384 : index
        %parallel_loop3A_364 = tpu.vector_load %arg6[%parallel_loop3A_362, %parallel_loop3A_363] {strides = array<i32>} : memref<5x768xf32, #tpu.memory_space<vmem>>, vector<1x16xf32>,
        %parallel_loop3A_365 = vector.shape_cast %parallel_loop3A_364 : vector<1x16xf32> to vector<16xf32>
        %parallel_loop3A_366 = vector.broadcast %parallel_loop3A_94 : f32 to vector<16xf32>
        %parallel_loop3A_367 = arith.mulf %parallel_loop3A_365, %parallel_loop3A_366 : vector<16xf32>
        %parallel_loop3A_368 = arith.index_cast %parallel_loop3A_97 : i32 to index
        %parallel_loop3A_369 = arith.constant 384 : index
        %parallel_loop3A_370 = tpu.vector_load %arg9[%parallel_loop3A_368, %parallel_loop3A_369] {strides = array<i32>} : memref<128x768xf32, #tpu.memory_space<vmem>>, vector<1x16xf32>,
        %parallel_loop3A_371 = vector.shape_cast %parallel_loop3A_370 : vector<1x16xf32> to vector<16xf32>
        %parallel_loop3A_372 = vector.shape_cast %parallel_loop3A_367 : vector<16xf32> to vector<1x16xf32>
        tpu.vector_store %arg9[%parallel_loop3A_368, %parallel_loop3A_369], %parallel_loop3A_372 {strides = array<i32>} : memref<128x768xf32, #tpu.memory_space<vmem>>, vector<1x16xf32>,
        %parallel_loop3A_373 = arith.index_cast %parallel_loop3A_89 : i32 to index
        %parallel_loop3A_374 = arith.constant 400 : index
        %parallel_loop3A_375 = tpu.vector_load %arg6[%parallel_loop3A_373, %parallel_loop3A_374] {strides = array<i32>} : memref<5x768xf32, #tpu.memory_space<vmem>>, vector<1x16xf32>,
        %parallel_loop3A_376 = vector.shape_cast %parallel_loop3A_375 : vector<1x16xf32> to vector<16xf32>
        %parallel_loop3A_377 = vector.broadcast %parallel_loop3A_94 : f32 to vector<16xf32>
        %parallel_loop3A_378 = arith.mulf %parallel_loop3A_376, %parallel_loop3A_377 : vector<16xf32>
        %parallel_loop3A_379 = arith.index_cast %parallel_loop3A_97 : i32 to index
        %parallel_loop3A_380 = arith.constant 400 : index
        %parallel_loop3A_381 = tpu.vector_load %arg9[%parallel_loop3A_379, %parallel_loop3A_380] {strides = array<i32>} : memref<128x768xf32, #tpu.memory_space<vmem>>, vector<1x16xf32>,
        %parallel_loop3A_382 = vector.shape_cast %parallel_loop3A_381 : vector<1x16xf32> to vector<16xf32>
        %parallel_loop3A_383 = vector.shape_cast %parallel_loop3A_378 : vector<16xf32> to vector<1x16xf32>
        tpu.vector_store %arg9[%parallel_loop3A_379, %parallel_loop3A_380], %parallel_loop3A_383 {strides = array<i32>} : memref<128x768xf32, #tpu.memory_space<vmem>>, vector<1x16xf32>,
        %parallel_loop3A_384 = arith.index_cast %parallel_loop3A_89 : i32 to index
        %parallel_loop3A_385 = arith.constant 416 : index
        %parallel_loop3A_386 = tpu.vector_load %arg6[%parallel_loop3A_384, %parallel_loop3A_385] {strides = array<i32>} : memref<5x768xf32, #tpu.memory_space<vmem>>, vector<1x16xf32>,
        %parallel_loop3A_387 = vector.shape_cast %parallel_loop3A_386 : vector<1x16xf32> to vector<16xf32>
        %parallel_loop3A_388 = vector.broadcast %parallel_loop3A_94 : f32 to vector<16xf32>
        %parallel_loop3A_389 = arith.mulf %parallel_loop3A_387, %parallel_loop3A_388 : vector<16xf32>
        %parallel_loop3A_390 = arith.index_cast %parallel_loop3A_97 : i32 to index
        %parallel_loop3A_391 = arith.constant 416 : index
        %parallel_loop3A_392 = tpu.vector_load %arg9[%parallel_loop3A_390, %parallel_loop3A_391] {strides = array<i32>} : memref<128x768xf32, #tpu.memory_space<vmem>>, vector<1x16xf32>,
        %parallel_loop3A_393 = vector.shape_cast %parallel_loop3A_392 : vector<1x16xf32> to vector<16xf32>
        %parallel_loop3A_394 = vector.shape_cast %parallel_loop3A_389 : vector<16xf32> to vector<1x16xf32>
        tpu.vector_store %arg9[%parallel_loop3A_390, %parallel_loop3A_391], %parallel_loop3A_394 {strides = array<i32>} : memref<128x768xf32, #tpu.memory_space<vmem>>, vector<1x16xf32>,
        %parallel_loop3A_395 = arith.index_cast %parallel_loop3A_89 : i32 to index
        %parallel_loop3A_396 = arith.constant 432 : index
        %parallel_loop3A_397 = tpu.vector_load %arg6[%parallel_loop3A_395, %parallel_loop3A_396] {strides = array<i32>} : memref<5x768xf32, #tpu.memory_space<vmem>>, vector<1x16xf32>,
        %parallel_loop3A_398 = vector.shape_cast %parallel_loop3A_397 : vector<1x16xf32> to vector<16xf32>
        %parallel_loop3A_399 = vector.broadcast %parallel_loop3A_94 : f32 to vector<16xf32>
        %parallel_loop3A_400 = arith.mulf %parallel_loop3A_398, %parallel_loop3A_399 : vector<16xf32>
        %parallel_loop3A_401 = arith.index_cast %parallel_loop3A_97 : i32 to index
        %parallel_loop3A_402 = arith.constant 432 : index
        %parallel_loop3A_403 = tpu.vector_load %arg9[%parallel_loop3A_401, %parallel_loop3A_402] {strides = array<i32>} : memref<128x768xf32, #tpu.memory_space<vmem>>, vector<1x16xf32>,
        %parallel_loop3A_404 = vector.shape_cast %parallel_loop3A_403 : vector<1x16xf32> to vector<16xf32>
        %parallel_loop3A_405 = vector.shape_cast %parallel_loop3A_400 : vector<16xf32> to vector<1x16xf32>
        tpu.vector_store %arg9[%parallel_loop3A_401, %parallel_loop3A_402], %parallel_loop3A_405 {strides = array<i32>} : memref<128x768xf32, #tpu.memory_space<vmem>>, vector<1x16xf32>,
        %parallel_loop3A_406 = arith.index_cast %parallel_loop3A_89 : i32 to index
        %parallel_loop3A_407 = arith.constant 448 : index
        %parallel_loop3A_408 = tpu.vector_load %arg6[%parallel_loop3A_406, %parallel_loop3A_407] {strides = array<i32>} : memref<5x768xf32, #tpu.memory_space<vmem>>, vector<1x16xf32>,
        %parallel_loop3A_409 = vector.shape_cast %parallel_loop3A_408 : vector<1x16xf32> to vector<16xf32>
        %parallel_loop3A_410 = vector.broadcast %parallel_loop3A_94 : f32 to vector<16xf32>
        %parallel_loop3A_411 = arith.mulf %parallel_loop3A_409, %parallel_loop3A_410 : vector<16xf32>
        %parallel_loop3A_412 = arith.index_cast %parallel_loop3A_97 : i32 to index
        %parallel_loop3A_413 = arith.constant 448 : index
        %parallel_loop3A_414 = tpu.vector_load %arg9[%parallel_loop3A_412, %parallel_loop3A_413] {strides = array<i32>} : memref<128x768xf32, #tpu.memory_space<vmem>>, vector<1x16xf32>,
        %parallel_loop3A_415 = vector.shape_cast %parallel_loop3A_414 : vector<1x16xf32> to vector<16xf32>
        %parallel_loop3A_416 = vector.shape_cast %parallel_loop3A_411 : vector<16xf32> to vector<1x16xf32>
        tpu.vector_store %arg9[%parallel_loop3A_412, %parallel_loop3A_413], %parallel_loop3A_416 {strides = array<i32>} : memref<128x768xf32, #tpu.memory_space<vmem>>, vector<1x16xf32>,
        %parallel_loop3A_417 = arith.index_cast %parallel_loop3A_89 : i32 to index
        %parallel_loop3A_418 = arith.constant 464 : index
        %parallel_loop3A_419 = tpu.vector_load %arg6[%parallel_loop3A_417, %parallel_loop3A_418] {strides = array<i32>} : memref<5x768xf32, #tpu.memory_space<vmem>>, vector<1x16xf32>,
        %parallel_loop3A_420 = vector.shape_cast %parallel_loop3A_419 : vector<1x16xf32> to vector<16xf32>
        %parallel_loop3A_421 = vector.broadcast %parallel_loop3A_94 : f32 to vector<16xf32>
        %parallel_loop3A_422 = arith.mulf %parallel_loop3A_420, %parallel_loop3A_421 : vector<16xf32>
        %parallel_loop3A_423 = arith.index_cast %parallel_loop3A_97 : i32 to index
        %parallel_loop3A_424 = arith.constant 464 : index
        %parallel_loop3A_425 = tpu.vector_load %arg9[%parallel_loop3A_423, %parallel_loop3A_424] {strides = array<i32>} : memref<128x768xf32, #tpu.memory_space<vmem>>, vector<1x16xf32>,
        %parallel_loop3A_426 = vector.shape_cast %parallel_loop3A_425 : vector<1x16xf32> to vector<16xf32>
        %parallel_loop3A_427 = vector.shape_cast %parallel_loop3A_422 : vector<16xf32> to vector<1x16xf32>
        tpu.vector_store %arg9[%parallel_loop3A_423, %parallel_loop3A_424], %parallel_loop3A_427 {strides = array<i32>} : memref<128x768xf32, #tpu.memory_space<vmem>>, vector<1x16xf32>,
        %parallel_loop3A_428 = arith.index_cast %parallel_loop3A_89 : i32 to index
        %parallel_loop3A_429 = arith.constant 480 : index
        %parallel_loop3A_430 = tpu.vector_load %arg6[%parallel_loop3A_428, %parallel_loop3A_429] {strides = array<i32>} : memref<5x768xf32, #tpu.memory_space<vmem>>, vector<1x16xf32>,
        %parallel_loop3A_431 = vector.shape_cast %parallel_loop3A_430 : vector<1x16xf32> to vector<16xf32>
        %parallel_loop3A_432 = vector.broadcast %parallel_loop3A_94 : f32 to vector<16xf32>
        %parallel_loop3A_433 = arith.mulf %parallel_loop3A_431, %parallel_loop3A_432 : vector<16xf32>
        %parallel_loop3A_434 = arith.index_cast %parallel_loop3A_97 : i32 to index
        %parallel_loop3A_435 = arith.constant 480 : index
        %parallel_loop3A_436 = tpu.vector_load %arg9[%parallel_loop3A_434, %parallel_loop3A_435] {strides = array<i32>} : memref<128x768xf32, #tpu.memory_space<vmem>>, vector<1x16xf32>,
        %parallel_loop3A_437 = vector.shape_cast %parallel_loop3A_436 : vector<1x16xf32> to vector<16xf32>
        %parallel_loop3A_438 = vector.shape_cast %parallel_loop3A_433 : vector<16xf32> to vector<1x16xf32>
        tpu.vector_store %arg9[%parallel_loop3A_434, %parallel_loop3A_435], %parallel_loop3A_438 {strides = array<i32>} : memref<128x768xf32, #tpu.memory_space<vmem>>, vector<1x16xf32>,
        %parallel_loop3A_439 = arith.index_cast %parallel_loop3A_89 : i32 to index
        %parallel_loop3A_440 = arith.constant 496 : index
        %parallel_loop3A_441 = tpu.vector_load %arg6[%parallel_loop3A_439, %parallel_loop3A_440] {strides = array<i32>} : memref<5x768xf32, #tpu.memory_space<vmem>>, vector<1x16xf32>,
        %parallel_loop3A_442 = vector.shape_cast %parallel_loop3A_441 : vector<1x16xf32> to vector<16xf32>
        %parallel_loop3A_443 = vector.broadcast %parallel_loop3A_94 : f32 to vector<16xf32>
        %parallel_loop3A_444 = arith.mulf %parallel_loop3A_442, %parallel_loop3A_443 : vector<16xf32>
        %parallel_loop3A_445 = arith.index_cast %parallel_loop3A_97 : i32 to index
        %parallel_loop3A_446 = arith.constant 496 : index
        %parallel_loop3A_447 = tpu.vector_load %arg9[%parallel_loop3A_445, %parallel_loop3A_446] {strides = array<i32>} : memref<128x768xf32, #tpu.memory_space<vmem>>, vector<1x16xf32>,
        %parallel_loop3A_448 = vector.shape_cast %parallel_loop3A_447 : vector<1x16xf32> to vector<16xf32>
        %parallel_loop3A_449 = vector.shape_cast %parallel_loop3A_444 : vector<16xf32> to vector<1x16xf32>
        tpu.vector_store %arg9[%parallel_loop3A_445, %parallel_loop3A_446], %parallel_loop3A_449 {strides = array<i32>} : memref<128x768xf32, #tpu.memory_space<vmem>>, vector<1x16xf32>,
        %parallel_loop3A_450 = arith.index_cast %parallel_loop3A_89 : i32 to index
        %parallel_loop3A_451 = arith.constant 512 : index
        %parallel_loop3A_452 = tpu.vector_load %arg6[%parallel_loop3A_450, %parallel_loop3A_451] {strides = array<i32>} : memref<5x768xf32, #tpu.memory_space<vmem>>, vector<1x16xf32>,
        %parallel_loop3A_453 = vector.shape_cast %parallel_loop3A_452 : vector<1x16xf32> to vector<16xf32>
        %parallel_loop3A_454 = vector.broadcast %parallel_loop3A_94 : f32 to vector<16xf32>
        %parallel_loop3A_455 = arith.mulf %parallel_loop3A_453, %parallel_loop3A_454 : vector<16xf32>
        %parallel_loop3A_456 = arith.index_cast %parallel_loop3A_97 : i32 to index
        %parallel_loop3A_457 = arith.constant 512 : index
        %parallel_loop3A_458 = tpu.vector_load %arg9[%parallel_loop3A_456, %parallel_loop3A_457] {strides = array<i32>} : memref<128x768xf32, #tpu.memory_space<vmem>>, vector<1x16xf32>,
        %parallel_loop3A_459 = vector.shape_cast %parallel_loop3A_458 : vector<1x16xf32> to vector<16xf32>
        %parallel_loop3A_460 = vector.shape_cast %parallel_loop3A_455 : vector<16xf32> to vector<1x16xf32>
        tpu.vector_store %arg9[%parallel_loop3A_456, %parallel_loop3A_457], %parallel_loop3A_460 {strides = array<i32>} : memref<128x768xf32, #tpu.memory_space<vmem>>, vector<1x16xf32>,
        %parallel_loop3A_461 = arith.index_cast %parallel_loop3A_89 : i32 to index
        %parallel_loop3A_462 = arith.constant 528 : index
        %parallel_loop3A_463 = tpu.vector_load %arg6[%parallel_loop3A_461, %parallel_loop3A_462] {strides = array<i32>} : memref<5x768xf32, #tpu.memory_space<vmem>>, vector<1x16xf32>,
        %parallel_loop3A_464 = vector.shape_cast %parallel_loop3A_463 : vector<1x16xf32> to vector<16xf32>
        %parallel_loop3A_465 = vector.broadcast %parallel_loop3A_94 : f32 to vector<16xf32>
        %parallel_loop3A_466 = arith.mulf %parallel_loop3A_464, %parallel_loop3A_465 : vector<16xf32>
        %parallel_loop3A_467 = arith.index_cast %parallel_loop3A_97 : i32 to index
        %parallel_loop3A_468 = arith.constant 528 : index
        %parallel_loop3A_469 = tpu.vector_load %arg9[%parallel_loop3A_467, %parallel_loop3A_468] {strides = array<i32>} : memref<128x768xf32, #tpu.memory_space<vmem>>, vector<1x16xf32>,
        %parallel_loop3A_470 = vector.shape_cast %parallel_loop3A_469 : vector<1x16xf32> to vector<16xf32>
        %parallel_loop3A_471 = vector.shape_cast %parallel_loop3A_466 : vector<16xf32> to vector<1x16xf32>
        tpu.vector_store %arg9[%parallel_loop3A_467, %parallel_loop3A_468], %parallel_loop3A_471 {strides = array<i32>} : memref<128x768xf32, #tpu.memory_space<vmem>>, vector<1x16xf32>,
        %parallel_loop3A_472 = arith.index_cast %parallel_loop3A_89 : i32 to index
        %parallel_loop3A_473 = arith.constant 544 : index
        %parallel_loop3A_474 = tpu.vector_load %arg6[%parallel_loop3A_472, %parallel_loop3A_473] {strides = array<i32>} : memref<5x768xf32, #tpu.memory_space<vmem>>, vector<1x16xf32>,
        %parallel_loop3A_475 = vector.shape_cast %parallel_loop3A_474 : vector<1x16xf32> to vector<16xf32>
        %parallel_loop3A_476 = vector.broadcast %parallel_loop3A_94 : f32 to vector<16xf32>
        %parallel_loop3A_477 = arith.mulf %parallel_loop3A_475, %parallel_loop3A_476 : vector<16xf32>
        %parallel_loop3A_478 = arith.index_cast %parallel_loop3A_97 : i32 to index
        %parallel_loop3A_479 = arith.constant 544 : index
        %parallel_loop3A_480 = tpu.vector_load %arg9[%parallel_loop3A_478, %parallel_loop3A_479] {strides = array<i32>} : memref<128x768xf32, #tpu.memory_space<vmem>>, vector<1x16xf32>,
        %parallel_loop3A_481 = vector.shape_cast %parallel_loop3A_480 : vector<1x16xf32> to vector<16xf32>
        %parallel_loop3A_482 = vector.shape_cast %parallel_loop3A_477 : vector<16xf32> to vector<1x16xf32>
        tpu.vector_store %arg9[%parallel_loop3A_478, %parallel_loop3A_479], %parallel_loop3A_482 {strides = array<i32>} : memref<128x768xf32, #tpu.memory_space<vmem>>, vector<1x16xf32>,
        %parallel_loop3A_483 = arith.index_cast %parallel_loop3A_89 : i32 to index
        %parallel_loop3A_484 = arith.constant 560 : index
        %parallel_loop3A_485 = tpu.vector_load %arg6[%parallel_loop3A_483, %parallel_loop3A_484] {strides = array<i32>} : memref<5x768xf32, #tpu.memory_space<vmem>>, vector<1x16xf32>,
        %parallel_loop3A_486 = vector.shape_cast %parallel_loop3A_485 : vector<1x16xf32> to vector<16xf32>
        %parallel_loop3A_487 = vector.broadcast %parallel_loop3A_94 : f32 to vector<16xf32>
        %parallel_loop3A_488 = arith.mulf %parallel_loop3A_486, %parallel_loop3A_487 : vector<16xf32>
        %parallel_loop3A_489 = arith.index_cast %parallel_loop3A_97 : i32 to index
        %parallel_loop3A_490 = arith.constant 560 : index
        %parallel_loop3A_491 = tpu.vector_load %arg9[%parallel_loop3A_489, %parallel_loop3A_490] {strides = array<i32>} : memref<128x768xf32, #tpu.memory_space<vmem>>, vector<1x16xf32>,
        %parallel_loop3A_492 = vector.shape_cast %parallel_loop3A_491 : vector<1x16xf32> to vector<16xf32>
        %parallel_loop3A_493 = vector.shape_cast %parallel_loop3A_488 : vector<16xf32> to vector<1x16xf32>
        tpu.vector_store %arg9[%parallel_loop3A_489, %parallel_loop3A_490], %parallel_loop3A_493 {strides = array<i32>} : memref<128x768xf32, #tpu.memory_space<vmem>>, vector<1x16xf32>,
        %parallel_loop3A_494 = arith.index_cast %parallel_loop3A_89 : i32 to index
        %parallel_loop3A_495 = arith.constant 576 : index
        %parallel_loop3A_496 = tpu.vector_load %arg6[%parallel_loop3A_494, %parallel_loop3A_495] {strides = array<i32>} : memref<5x768xf32, #tpu.memory_space<vmem>>, vector<1x16xf32>,
        %parallel_loop3A_497 = vector.shape_cast %parallel_loop3A_496 : vector<1x16xf32> to vector<16xf32>
        %parallel_loop3A_498 = vector.broadcast %parallel_loop3A_94 : f32 to vector<16xf32>
        %parallel_loop3A_499 = arith.mulf %parallel_loop3A_497, %parallel_loop3A_498 : vector<16xf32>
        %parallel_loop3A_500 = arith.index_cast %parallel_loop3A_97 : i32 to index
        %parallel_loop3A_501 = arith.constant 576 : index
        %parallel_loop3A_502 = tpu.vector_load %arg9[%parallel_loop3A_500, %parallel_loop3A_501] {strides = array<i32>} : memref<128x768xf32, #tpu.memory_space<vmem>>, vector<1x16xf32>,
        %parallel_loop3A_503 = vector.shape_cast %parallel_loop3A_502 : vector<1x16xf32> to vector<16xf32>
        %parallel_loop3A_504 = vector.shape_cast %parallel_loop3A_499 : vector<16xf32> to vector<1x16xf32>
        tpu.vector_store %arg9[%parallel_loop3A_500, %parallel_loop3A_501], %parallel_loop3A_504 {strides = array<i32>} : memref<128x768xf32, #tpu.memory_space<vmem>>, vector<1x16xf32>,
        %parallel_loop3A_505 = arith.index_cast %parallel_loop3A_89 : i32 to index
        %parallel_loop3A_506 = arith.constant 592 : index
        %parallel_loop3A_507 = tpu.vector_load %arg6[%parallel_loop3A_505, %parallel_loop3A_506] {strides = array<i32>} : memref<5x768xf32, #tpu.memory_space<vmem>>, vector<1x16xf32>,
        %parallel_loop3A_508 = vector.shape_cast %parallel_loop3A_507 : vector<1x16xf32> to vector<16xf32>
        %parallel_loop3A_509 = vector.broadcast %parallel_loop3A_94 : f32 to vector<16xf32>
        %parallel_loop3A_510 = arith.mulf %parallel_loop3A_508, %parallel_loop3A_509 : vector<16xf32>
        %parallel_loop3A_511 = arith.index_cast %parallel_loop3A_97 : i32 to index
        %parallel_loop3A_512 = arith.constant 592 : index
        %parallel_loop3A_513 = tpu.vector_load %arg9[%parallel_loop3A_511, %parallel_loop3A_512] {strides = array<i32>} : memref<128x768xf32, #tpu.memory_space<vmem>>, vector<1x16xf32>,
        %parallel_loop3A_514 = vector.shape_cast %parallel_loop3A_513 : vector<1x16xf32> to vector<16xf32>
        %parallel_loop3A_515 = vector.shape_cast %parallel_loop3A_510 : vector<16xf32> to vector<1x16xf32>
        tpu.vector_store %arg9[%parallel_loop3A_511, %parallel_loop3A_512], %parallel_loop3A_515 {strides = array<i32>} : memref<128x768xf32, #tpu.memory_space<vmem>>, vector<1x16xf32>,
        %parallel_loop3A_516 = arith.index_cast %parallel_loop3A_89 : i32 to index
        %parallel_loop3A_517 = arith.constant 608 : index
        %parallel_loop3A_518 = tpu.vector_load %arg6[%parallel_loop3A_516, %parallel_loop3A_517] {strides = array<i32>} : memref<5x768xf32, #tpu.memory_space<vmem>>, vector<1x16xf32>,
        %parallel_loop3A_519 = vector.shape_cast %parallel_loop3A_518 : vector<1x16xf32> to vector<16xf32>
        %parallel_loop3A_520 = vector.broadcast %parallel_loop3A_94 : f32 to vector<16xf32>
        %parallel_loop3A_521 = arith.mulf %parallel_loop3A_519, %parallel_loop3A_520 : vector<16xf32>
        %parallel_loop3A_522 = arith.index_cast %parallel_loop3A_97 : i32 to index
        %parallel_loop3A_523 = arith.constant 608 : index
        %parallel_loop3A_524 = tpu.vector_load %arg9[%parallel_loop3A_522, %parallel_loop3A_523] {strides = array<i32>} : memref<128x768xf32, #tpu.memory_space<vmem>>, vector<1x16xf32>,
        %parallel_loop3A_525 = vector.shape_cast %parallel_loop3A_524 : vector<1x16xf32> to vector<16xf32>
        %parallel_loop3A_526 = vector.shape_cast %parallel_loop3A_521 : vector<16xf32> to vector<1x16xf32>
        tpu.vector_store %arg9[%parallel_loop3A_522, %parallel_loop3A_523], %parallel_loop3A_526 {strides = array<i32>} : memref<128x768xf32, #tpu.memory_space<vmem>>, vector<1x16xf32>,
        %parallel_loop3A_527 = arith.index_cast %parallel_loop3A_89 : i32 to index
        %parallel_loop3A_528 = arith.constant 624 : index
        %parallel_loop3A_529 = tpu.vector_load %arg6[%parallel_loop3A_527, %parallel_loop3A_528] {strides = array<i32>} : memref<5x768xf32, #tpu.memory_space<vmem>>, vector<1x16xf32>,
        %parallel_loop3A_530 = vector.shape_cast %parallel_loop3A_529 : vector<1x16xf32> to vector<16xf32>
        %parallel_loop3A_531 = vector.broadcast %parallel_loop3A_94 : f32 to vector<16xf32>
        %parallel_loop3A_532 = arith.mulf %parallel_loop3A_530, %parallel_loop3A_531 : vector<16xf32>
        %parallel_loop3A_533 = arith.index_cast %parallel_loop3A_97 : i32 to index
        %parallel_loop3A_534 = arith.constant 624 : index
        %parallel_loop3A_535 = tpu.vector_load %arg9[%parallel_loop3A_533, %parallel_loop3A_534] {strides = array<i32>} : memref<128x768xf32, #tpu.memory_space<vmem>>, vector<1x16xf32>,
        %parallel_loop3A_536 = vector.shape_cast %parallel_loop3A_535 : vector<1x16xf32> to vector<16xf32>
        %parallel_loop3A_537 = vector.shape_cast %parallel_loop3A_532 : vector<16xf32> to vector<1x16xf32>
        tpu.vector_store %arg9[%parallel_loop3A_533, %parallel_loop3A_534], %parallel_loop3A_537 {strides = array<i32>} : memref<128x768xf32, #tpu.memory_space<vmem>>, vector<1x16xf32>,
        %parallel_loop3A_538 = arith.index_cast %parallel_loop3A_89 : i32 to index
        %parallel_loop3A_539 = arith.constant 640 : index
        %parallel_loop3A_540 = tpu.vector_load %arg6[%parallel_loop3A_538, %parallel_loop3A_539] {strides = array<i32>} : memref<5x768xf32, #tpu.memory_space<vmem>>, vector<1x16xf32>,
        %parallel_loop3A_541 = vector.shape_cast %parallel_loop3A_540 : vector<1x16xf32> to vector<16xf32>
        %parallel_loop3A_542 = vector.broadcast %parallel_loop3A_94 : f32 to vector<16xf32>
        %parallel_loop3A_543 = arith.mulf %parallel_loop3A_541, %parallel_loop3A_542 : vector<16xf32>
        %parallel_loop3A_544 = arith.index_cast %parallel_loop3A_97 : i32 to index
        %parallel_loop3A_545 = arith.constant 640 : index
        %parallel_loop3A_546 = tpu.vector_load %arg9[%parallel_loop3A_544, %parallel_loop3A_545] {strides = array<i32>} : memref<128x768xf32, #tpu.memory_space<vmem>>, vector<1x16xf32>,
        %parallel_loop3A_547 = vector.shape_cast %parallel_loop3A_546 : vector<1x16xf32> to vector<16xf32>
        %parallel_loop3A_548 = vector.shape_cast %parallel_loop3A_543 : vector<16xf32> to vector<1x16xf32>
        tpu.vector_store %arg9[%parallel_loop3A_544, %parallel_loop3A_545], %parallel_loop3A_548 {strides = array<i32>} : memref<128x768xf32, #tpu.memory_space<vmem>>, vector<1x16xf32>,
        %parallel_loop3A_549 = arith.index_cast %parallel_loop3A_89 : i32 to index
        %parallel_loop3A_550 = arith.constant 656 : index
        %parallel_loop3A_551 = tpu.vector_load %arg6[%parallel_loop3A_549, %parallel_loop3A_550] {strides = array<i32>} : memref<5x768xf32, #tpu.memory_space<vmem>>, vector<1x16xf32>,
        %parallel_loop3A_552 = vector.shape_cast %parallel_loop3A_551 : vector<1x16xf32> to vector<16xf32>
        %parallel_loop3A_553 = vector.broadcast %parallel_loop3A_94 : f32 to vector<16xf32>
        %parallel_loop3A_554 = arith.mulf %parallel_loop3A_552, %parallel_loop3A_553 : vector<16xf32>
        %parallel_loop3A_555 = arith.index_cast %parallel_loop3A_97 : i32 to index
        %parallel_loop3A_556 = arith.constant 656 : index
        %parallel_loop3A_557 = tpu.vector_load %arg9[%parallel_loop3A_555, %parallel_loop3A_556] {strides = array<i32>} : memref<128x768xf32, #tpu.memory_space<vmem>>, vector<1x16xf32>,
        %parallel_loop3A_558 = vector.shape_cast %parallel_loop3A_557 : vector<1x16xf32> to vector<16xf32>
        %parallel_loop3A_559 = vector.shape_cast %parallel_loop3A_554 : vector<16xf32> to vector<1x16xf32>
        tpu.vector_store %arg9[%parallel_loop3A_555, %parallel_loop3A_556], %parallel_loop3A_559 {strides = array<i32>} : memref<128x768xf32, #tpu.memory_space<vmem>>, vector<1x16xf32>,
        %parallel_loop3A_560 = arith.index_cast %parallel_loop3A_89 : i32 to index
        %parallel_loop3A_561 = arith.constant 672 : index
        %parallel_loop3A_562 = tpu.vector_load %arg6[%parallel_loop3A_560, %parallel_loop3A_561] {strides = array<i32>} : memref<5x768xf32, #tpu.memory_space<vmem>>, vector<1x16xf32>,
        %parallel_loop3A_563 = vector.shape_cast %parallel_loop3A_562 : vector<1x16xf32> to vector<16xf32>
        %parallel_loop3A_564 = vector.broadcast %parallel_loop3A_94 : f32 to vector<16xf32>
        %parallel_loop3A_565 = arith.mulf %parallel_loop3A_563, %parallel_loop3A_564 : vector<16xf32>
        %parallel_loop3A_566 = arith.index_cast %parallel_loop3A_97 : i32 to index
        %parallel_loop3A_567 = arith.constant 672 : index
        %parallel_loop3A_568 = tpu.vector_load %arg9[%parallel_loop3A_566, %parallel_loop3A_567] {strides = array<i32>} : memref<128x768xf32, #tpu.memory_space<vmem>>, vector<1x16xf32>,
        %parallel_loop3A_569 = vector.shape_cast %parallel_loop3A_568 : vector<1x16xf32> to vector<16xf32>
        %parallel_loop3A_570 = vector.shape_cast %parallel_loop3A_565 : vector<16xf32> to vector<1x16xf32>
        tpu.vector_store %arg9[%parallel_loop3A_566, %parallel_loop3A_567], %parallel_loop3A_570 {strides = array<i32>} : memref<128x768xf32, #tpu.memory_space<vmem>>, vector<1x16xf32>,
        %parallel_loop3A_571 = arith.index_cast %parallel_loop3A_89 : i32 to index
        %parallel_loop3A_572 = arith.constant 688 : index
        %parallel_loop3A_573 = tpu.vector_load %arg6[%parallel_loop3A_571, %parallel_loop3A_572] {strides = array<i32>} : memref<5x768xf32, #tpu.memory_space<vmem>>, vector<1x16xf32>,
        %parallel_loop3A_574 = vector.shape_cast %parallel_loop3A_573 : vector<1x16xf32> to vector<16xf32>
        %parallel_loop3A_575 = vector.broadcast %parallel_loop3A_94 : f32 to vector<16xf32>
        %parallel_loop3A_576 = arith.mulf %parallel_loop3A_574, %parallel_loop3A_575 : vector<16xf32>
        %parallel_loop3A_577 = arith.index_cast %parallel_loop3A_97 : i32 to index
        %parallel_loop3A_578 = arith.constant 688 : index
        %parallel_loop3A_579 = tpu.vector_load %arg9[%parallel_loop3A_577, %parallel_loop3A_578] {strides = array<i32>} : memref<128x768xf32, #tpu.memory_space<vmem>>, vector<1x16xf32>,
        %parallel_loop3A_580 = vector.shape_cast %parallel_loop3A_579 : vector<1x16xf32> to vector<16xf32>
        %parallel_loop3A_581 = vector.shape_cast %parallel_loop3A_576 : vector<16xf32> to vector<1x16xf32>
        tpu.vector_store %arg9[%parallel_loop3A_577, %parallel_loop3A_578], %parallel_loop3A_581 {strides = array<i32>} : memref<128x768xf32, #tpu.memory_space<vmem>>, vector<1x16xf32>,
        %parallel_loop3A_582 = arith.index_cast %parallel_loop3A_89 : i32 to index
        %parallel_loop3A_583 = arith.constant 704 : index
        %parallel_loop3A_584 = tpu.vector_load %arg6[%parallel_loop3A_582, %parallel_loop3A_583] {strides = array<i32>} : memref<5x768xf32, #tpu.memory_space<vmem>>, vector<1x16xf32>,
        %parallel_loop3A_585 = vector.shape_cast %parallel_loop3A_584 : vector<1x16xf32> to vector<16xf32>
        %parallel_loop3A_586 = vector.broadcast %parallel_loop3A_94 : f32 to vector<16xf32>
        %parallel_loop3A_587 = arith.mulf %parallel_loop3A_585, %parallel_loop3A_586 : vector<16xf32>
        %parallel_loop3A_588 = arith.index_cast %parallel_loop3A_97 : i32 to index
        %parallel_loop3A_589 = arith.constant 704 : index
        %parallel_loop3A_590 = tpu.vector_load %arg9[%parallel_loop3A_588, %parallel_loop3A_589] {strides = array<i32>} : memref<128x768xf32, #tpu.memory_space<vmem>>, vector<1x16xf32>,
        %parallel_loop3A_591 = vector.shape_cast %parallel_loop3A_590 : vector<1x16xf32> to vector<16xf32>
        %parallel_loop3A_592 = vector.shape_cast %parallel_loop3A_587 : vector<16xf32> to vector<1x16xf32>
        tpu.vector_store %arg9[%parallel_loop3A_588, %parallel_loop3A_589], %parallel_loop3A_592 {strides = array<i32>} : memref<128x768xf32, #tpu.memory_space<vmem>>, vector<1x16xf32>,
        %parallel_loop3A_593 = arith.index_cast %parallel_loop3A_89 : i32 to index
        %parallel_loop3A_594 = arith.constant 720 : index
        %parallel_loop3A_595 = tpu.vector_load %arg6[%parallel_loop3A_593, %parallel_loop3A_594] {strides = array<i32>} : memref<5x768xf32, #tpu.memory_space<vmem>>, vector<1x16xf32>,
        %parallel_loop3A_596 = vector.shape_cast %parallel_loop3A_595 : vector<1x16xf32> to vector<16xf32>
        %parallel_loop3A_597 = vector.broadcast %parallel_loop3A_94 : f32 to vector<16xf32>
        %parallel_loop3A_598 = arith.mulf %parallel_loop3A_596, %parallel_loop3A_597 : vector<16xf32>
        %parallel_loop3A_599 = arith.index_cast %parallel_loop3A_97 : i32 to index
        %parallel_loop3A_600 = arith.constant 720 : index
        %parallel_loop3A_601 = tpu.vector_load %arg9[%parallel_loop3A_599, %parallel_loop3A_600] {strides = array<i32>} : memref<128x768xf32, #tpu.memory_space<vmem>>, vector<1x16xf32>,
        %parallel_loop3A_602 = vector.shape_cast %parallel_loop3A_601 : vector<1x16xf32> to vector<16xf32>
        %parallel_loop3A_603 = vector.shape_cast %parallel_loop3A_598 : vector<16xf32> to vector<1x16xf32>
        tpu.vector_store %arg9[%parallel_loop3A_599, %parallel_loop3A_600], %parallel_loop3A_603 {strides = array<i32>} : memref<128x768xf32, #tpu.memory_space<vmem>>, vector<1x16xf32>,
        %parallel_loop3A_604 = arith.index_cast %parallel_loop3A_89 : i32 to index
        %parallel_loop3A_605 = arith.constant 736 : index
        %parallel_loop3A_606 = tpu.vector_load %arg6[%parallel_loop3A_604, %parallel_loop3A_605] {strides = array<i32>} : memref<5x768xf32, #tpu.memory_space<vmem>>, vector<1x16xf32>,
        %parallel_loop3A_607 = vector.shape_cast %parallel_loop3A_606 : vector<1x16xf32> to vector<16xf32>
        %parallel_loop3A_608 = vector.broadcast %parallel_loop3A_94 : f32 to vector<16xf32>
        %parallel_loop3A_609 = arith.mulf %parallel_loop3A_607, %parallel_loop3A_608 : vector<16xf32>
        %parallel_loop3A_610 = arith.index_cast %parallel_loop3A_97 : i32 to index
        %parallel_loop3A_611 = arith.constant 736 : index
        %parallel_loop3A_612 = tpu.vector_load %arg9[%parallel_loop3A_610, %parallel_loop3A_611] {strides = array<i32>} : memref<128x768xf32, #tpu.memory_space<vmem>>, vector<1x16xf32>,
        %parallel_loop3A_613 = vector.shape_cast %parallel_loop3A_612 : vector<1x16xf32> to vector<16xf32>
        %parallel_loop3A_614 = vector.shape_cast %parallel_loop3A_609 : vector<16xf32> to vector<1x16xf32>
        tpu.vector_store %arg9[%parallel_loop3A_610, %parallel_loop3A_611], %parallel_loop3A_614 {strides = array<i32>} : memref<128x768xf32, #tpu.memory_space<vmem>>, vector<1x16xf32>,
        %parallel_loop3A_615 = arith.index_cast %parallel_loop3A_89 : i32 to index
        %parallel_loop3A_616 = arith.constant 752 : index
        %parallel_loop3A_617 = tpu.vector_load %arg6[%parallel_loop3A_615, %parallel_loop3A_616] {strides = array<i32>} : memref<5x768xf32, #tpu.memory_space<vmem>>, vector<1x16xf32>,
        %parallel_loop3A_618 = vector.shape_cast %parallel_loop3A_617 : vector<1x16xf32> to vector<16xf32>
        %parallel_loop3A_619 = vector.broadcast %parallel_loop3A_94 : f32 to vector<16xf32>
        %parallel_loop3A_620 = arith.mulf %parallel_loop3A_618, %parallel_loop3A_619 : vector<16xf32>
        %parallel_loop3A_621 = arith.index_cast %parallel_loop3A_97 : i32 to index
        %parallel_loop3A_622 = arith.constant 752 : index
        %parallel_loop3A_623 = tpu.vector_load %arg9[%parallel_loop3A_621, %parallel_loop3A_622] {strides = array<i32>} : memref<128x768xf32, #tpu.memory_space<vmem>>, vector<1x16xf32>,
        %parallel_loop3A_624 = vector.shape_cast %parallel_loop3A_623 : vector<1x16xf32> to vector<16xf32>
        %parallel_loop3A_625 = vector.shape_cast %parallel_loop3A_620 : vector<16xf32> to vector<1x16xf32>
        tpu.vector_store %arg9[%parallel_loop3A_621, %parallel_loop3A_622], %parallel_loop3A_625 {strides = array<i32>} : memref<128x768xf32, #tpu.memory_space<vmem>>, vector<1x16xf32>,
      } {sc.loop_unroll_factor = 2 : i64, sc.parallel_access}
      %mul3A_68 = arith.constant 64 : i32
      %mul3A_69 = arith.muli %scan3A_61, %mul3A_68 : i32
      %add3A_70 = arith.addi %mul3A_32, %mul3A_69 : i32
      %eq3A_71 = arith.constant 0 : i32
      %eq3A_72 = arith.cmpi eq, %rem3A_63, %eq3A_71 : i32
      %convert_element_type3A_73 = arith.extui %eq3A_72 : i1 to i32
      %cond3A_74 = arith.constant 0 : i32
      %cond3A_75 = arith.cmpi ne, %convert_element_type3A_73, %cond3A_74 : i32
      scf.if %cond3A_75 {
        %dma_start3A = arith.constant 0 : i32
        %dma_start3A_81 = arith.constant 0 : i32
        %dma_start3A_82 = tpu.memref_slice %arg9[%dma_start3A, %dma_start3A_81] : memref<128x768xf32, #tpu.memory_space<vmem>> -> memref<64x768xf32, #tpu.memory_space<vmem>>
        %dma_start3A_83 = arith.constant 0 : i32
        %dma_start3A_84 = tpu.memref_slice %arg5[%select_n3A, %add3A_70, %dma_start3A_83] : memref<4x4096x768xf32, #tpu.memory_space<hbm>> -> memref<1x64x768xf32, #tpu.memory_space<hbm>>
        %dma_start3A_85 = tpu.memref_squeeze %dma_start3A_84 : memref<1x64x768xf32, #tpu.memory_space<hbm>> -> memref<64x768xf32, #tpu.memory_space<hbm>>
        %dma_start3A_86 = arith.constant 0 : i32
        %dma_start3A_87 = tpu.memref_slice %arg5[%select_n3A, %add3A_70, %dma_start3A_86] : memref<4x4096x768xf32, #tpu.memory_space<hbm>> -> memref<1x64x768xf32, #tpu.memory_space<hbm>>
        %dma_start3A_88 = tpu.memref_squeeze %dma_start3A_87 : memref<1x64x768xf32, #tpu.memory_space<hbm>> -> memref<64x768xf32, #tpu.memory_space<hbm>>
        %dma_start3A_89 = arith.constant 0 : i32
        %dma_start3A_90 = arith.constant 0 : i32
        %dma_start3A_91 = tpu.memref_slice %arg9[%dma_start3A_89, %dma_start3A_90] : memref<128x768xf32, #tpu.memory_space<vmem>> -> memref<64x768xf32, #tpu.memory_space<vmem>>
        tpu.enqueue_dma source(%dma_start3A_91 : memref<64x768xf32, #tpu.memory_space<vmem>>) target(%dma_start3A_88 : memref<64x768xf32, #tpu.memory_space<hbm>>) target_semaphore(%arg10 : memref<!tpu.dma_semaphore, #tpu.memory_space<semaphore_mem>>)
      } else {
      }
      %eq3A_76 = arith.constant 1 : i32
      %eq3A_77 = arith.cmpi eq, %rem3A_63, %eq3A_76 : i32
      %convert_element_type3A_78 = arith.extui %eq3A_77 : i1 to i32
      %cond3A_79 = arith.constant 0 : i32
      %cond3A_80 = arith.cmpi ne, %convert_element_type3A_78, %cond3A_79 : i32
      scf.if %cond3A_80 {
        %dma_start3A = arith.constant 64 : i32
        %dma_start3A_81 = arith.constant 0 : i32
        %dma_start3A_82 = tpu.memref_slice %arg9[%dma_start3A, %dma_start3A_81] : memref<128x768xf32, #tpu.memory_space<vmem>> -> memref<64x768xf32, #tpu.memory_space<vmem>>
        %dma_start3A_83 = arith.constant 0 : i32
        %dma_start3A_84 = tpu.memref_slice %arg5[%select_n3A, %add3A_70, %dma_start3A_83] : memref<4x4096x768xf32, #tpu.memory_space<hbm>> -> memref<1x64x768xf32, #tpu.memory_space<hbm>>
        %dma_start3A_85 = tpu.memref_squeeze %dma_start3A_84 : memref<1x64x768xf32, #tpu.memory_space<hbm>> -> memref<64x768xf32, #tpu.memory_space<hbm>>
        %dma_start3A_86 = arith.constant 0 : i32
        %dma_start3A_87 = tpu.memref_slice %arg5[%select_n3A, %add3A_70, %dma_start3A_86] : memref<4x4096x768xf32, #tpu.memory_space<hbm>> -> memref<1x64x768xf32, #tpu.memory_space<hbm>>
        %dma_start3A_88 = tpu.memref_squeeze %dma_start3A_87 : memref<1x64x768xf32, #tpu.memory_space<hbm>> -> memref<64x768xf32, #tpu.memory_space<hbm>>
        %dma_start3A_89 = arith.constant 64 : i32
        %dma_start3A_90 = arith.constant 0 : i32
        %dma_start3A_91 = tpu.memref_slice %arg9[%dma_start3A_89, %dma_start3A_90] : memref<128x768xf32, #tpu.memory_space<vmem>> -> memref<64x768xf32, #tpu.memory_space<vmem>>
        tpu.enqueue_dma source(%dma_start3A_91 : memref<64x768xf32, #tpu.memory_space<vmem>>) target(%dma_start3A_88 : memref<64x768xf32, #tpu.memory_space<hbm>>) target_semaphore(%arg11 : memref<!tpu.dma_semaphore, #tpu.memory_space<semaphore_mem>>)
      } else {
      }
    }
    %scan3A_37 = arith.constant 8 : i32
    %dma_wait3A = arith.constant 0 : i32
    %dma_wait3A_38 = arith.constant 0 : i32
    %dma_wait3A_39 = tpu.memref_slice %arg9[%dma_wait3A, %dma_wait3A_38] : memref<128x768xf32, #tpu.memory_space<vmem>> -> memref<64x768xf32, #tpu.memory_space<vmem>>
    %dma_wait3A_40 = arith.constant 0 : i32
    %dma_wait3A_41 = tpu.memref_slice %arg5[%select_n3A, %mul3A_32, %dma_wait3A_40] : memref<4x4096x768xf32, #tpu.memory_space<hbm>> -> memref<1x64x768xf32, #tpu.memory_space<hbm>>
    %dma_wait3A_42 = tpu.memref_squeeze %dma_wait3A_41 : memref<1x64x768xf32, #tpu.memory_space<hbm>> -> memref<64x768xf32, #tpu.memory_space<hbm>>
    %dma_wait3A_43 = arith.constant 0 : i32
    %dma_wait3A_44 = tpu.memref_slice %arg5[%select_n3A, %mul3A_32, %dma_wait3A_43] : memref<4x4096x768xf32, #tpu.memory_space<hbm>> -> memref<1x64x768xf32, #tpu.memory_space<hbm>>
    %dma_wait3A_45 = tpu.memref_squeeze %dma_wait3A_44 : memref<1x64x768xf32, #tpu.memory_space<hbm>> -> memref<64x768xf32, #tpu.memory_space<hbm>>
    %dma_wait3A_46 = arith.constant 0 : i32
    %dma_wait3A_47 = arith.constant 0 : i32
    %dma_wait3A_48 = tpu.memref_slice %arg9[%dma_wait3A_46, %dma_wait3A_47] : memref<128x768xf32, #tpu.memory_space<vmem>> -> memref<64x768xf32, #tpu.memory_space<vmem>>
    tpu.wait_dma2 semaphore(%arg10 : memref<!tpu.dma_semaphore, #tpu.memory_space<semaphore_mem>>) src(%dma_wait3A_48 : memref<64x768xf32, #tpu.memory_space<vmem>>) dst(%dma_wait3A_45 : memref<64x768xf32, #tpu.memory_space<hbm>>)
    %dma_wait3A_49 = arith.constant 64 : i32
    %dma_wait3A_50 = arith.constant 0 : i32
    %dma_wait3A_51 = tpu.memref_slice %arg9[%dma_wait3A_49, %dma_wait3A_50] : memref<128x768xf32, #tpu.memory_space<vmem>> -> memref<64x768xf32, #tpu.memory_space<vmem>>
    %dma_wait3A_52 = arith.constant 0 : i32
    %dma_wait3A_53 = tpu.memref_slice %arg5[%select_n3A, %mul3A_32, %dma_wait3A_52] : memref<4x4096x768xf32, #tpu.memory_space<hbm>> -> memref<1x64x768xf32, #tpu.memory_space<hbm>>
    %dma_wait3A_54 = tpu.memref_squeeze %dma_wait3A_53 : memref<1x64x768xf32, #tpu.memory_space<hbm>> -> memref<64x768xf32, #tpu.memory_space<hbm>>
    %dma_wait3A_55 = arith.constant 0 : i32
    %dma_wait3A_56 = tpu.memref_slice %arg5[%select_n3A, %mul3A_32, %dma_wait3A_55] : memref<4x4096x768xf32, #tpu.memory_space<hbm>> -> memref<1x64x768xf32, #tpu.memory_space<hbm>>
    %dma_wait3A_57 = tpu.memref_squeeze %dma_wait3A_56 : memref<1x64x768xf32, #tpu.memory_space<hbm>> -> memref<64x768xf32, #tpu.memory_space<hbm>>
    %dma_wait3A_58 = arith.constant 64 : i32
    %dma_wait3A_59 = arith.constant 0 : i32
    %dma_wait3A_60 = tpu.memref_slice %arg9[%dma_wait3A_58, %dma_wait3A_59] : memref<128x768xf32, #tpu.memory_space<vmem>> -> memref<64x768xf32, #tpu.memory_space<vmem>>
    tpu.wait_dma2 semaphore(%arg11 : memref<!tpu.dma_semaphore, #tpu.memory_space<semaphore_mem>>) src(%dma_wait3A_60 : memref<64x768xf32, #tpu.memory_space<vmem>>) dst(%dma_wait3A_57 : memref<64x768xf32, #tpu.memory_space<hbm>>)
    return
  }
}

module attributes {stable_mosaic.version = 14 : i64} {
  func.func @_tc_select_body(%arg0: i32, %arg1: memref<1x1x1024xi32, #tpu.memory_space<vmem>>, %arg2: memref<1x1x1024xf32, #tpu.memory_space<vmem>>, %arg3: memref<5x768xf32, #tpu.memory_space<vmem>>, %arg4: memref<1x1024x768xf32, #tpu.memory_space<vmem>>) attributes {dimension_semantics = [#tpu.dimension_semantics<arbitrary>], iteration_bounds = array<i64: 16>, scalar_prefetch = 0 : i64, scratch_operands = 0 : i64, tpu.core_type = #tpu.core_type<tc>, window_params = [{transform_indices = @transform_0, window_bounds = array<i64: 1, 1, 1024>}, {transform_indices = @transform_1, window_bounds = array<i64: 1, 1, 1024>}, {pipeline_mode = #tpu.pipeline_mode<synchronous>, transform_indices = @transform_2, window_bounds = array<i64: 5, 768>}, {transform_indices = @transform_3, window_bounds = array<i64: 1, 1024, 768>}]} {
    %get3A = arith.constant 0 : index
    %get3A_0 = arith.constant 0 : index
    %get3A_1 = arith.constant 0 : index
    %get3A_2 = vector.load %arg1[%get3A, %get3A_0, %get3A_1] : memref<1x1x1024xi32, #tpu.memory_space<vmem>>, vector<1x1x1024xi32>
    %get3A_3 = vector.shape_cast %get3A_2 : vector<1x1x1024xi32> to vector<1x1024xi32>
    %get3A_4 = arith.constant 0 : index
    %get3A_5 = arith.constant 0 : index
    %get3A_6 = arith.constant 0 : index
    %get3A_7 = vector.load %arg2[%get3A_4, %get3A_5, %get3A_6] : memref<1x1x1024xf32, #tpu.memory_space<vmem>>, vector<1x1x1024xf32>
    %get3A_8 = vector.shape_cast %get3A_7 : vector<1x1x1024xf32> to vector<1x1024xf32>
    %get3A_9 = arith.constant 0 : index
    %get3A_10 = arith.constant 0 : index
    %get3A_11 = vector.load %arg3[%get3A_9, %get3A_10] : memref<5x768xf32, #tpu.memory_space<vmem>>, vector<5x768xf32>
    %iota3A = tpu.iota {dimensions = array<i32: 0>} : vector<5x1024xi32>
    %broadcast_in_dim3A = vector.shape_cast %get3A_3 : vector<1x1024xi32> to vector<1x1024xi32>
    %broadcast_in_dim3A_12 = vector.broadcast %broadcast_in_dim3A : vector<1x1024xi32> to vector<5x1024xi32>
    %eq3A = arith.cmpi eq, %broadcast_in_dim3A_12, %iota3A : vector<5x1024xi32>
    %broadcast_in_dim3A_13 = vector.shape_cast %get3A_8 : vector<1x1024xf32> to vector<1x1024xf32>
    %broadcast_in_dim3A_14 = vector.broadcast %broadcast_in_dim3A_13 : vector<1x1024xf32> to vector<5x1024xf32>
    %jit3A = arith.constant 0.000000e+00 : f32
    %broadcast_in_dim3A_15 = vector.broadcast %jit3A : f32 to vector<5x1024xf32>
    %select_n3A = arith.select %eq3A, %broadcast_in_dim3A_14, %broadcast_in_dim3A_15 : vector<5x1024xi1>, vector<5x1024xf32>
    %dot_general3A = arith.constant dense<0.000000e+00> : vector<1024x768xf32>
    %dot_general3A_16 = tpu.matmul %select_n3A, %get3A_11, %dot_general3A {dimension_numbers = #tpu.dot_dimension_numbers<[0], [0], [1], [1], [0, 1, 1, 1], [], []>, transpose_lhs_hint = false} : vector<5x1024xf32>, vector<5x768xf32>, vector<1024x768xf32> -> vector<1024x768xf32>
    %swap3A = arith.constant 0 : index
    %swap3A_17 = arith.constant 0 : index
    %swap3A_18 = arith.constant 0 : index
    %swap3A_19 = vector.load %arg4[%swap3A, %swap3A_17, %swap3A_18] : memref<1x1024x768xf32, #tpu.memory_space<vmem>>, vector<1x1024x768xf32>
    %swap3A_20 = vector.shape_cast %swap3A_19 : vector<1x1024x768xf32> to vector<1024x768xf32>
    %swap3A_21 = vector.shape_cast %dot_general3A_16 : vector<1024x768xf32> to vector<1x1024x768xf32>
    tpu.vector_store %arg4[%swap3A, %swap3A_17, %swap3A_18], %swap3A_21 {strides = array<i32>} : memref<1x1024x768xf32, #tpu.memory_space<vmem>>, vector<1x1024x768xf32>,
    return
  }
  func.func @transform_0(%arg0: i32) -> (i32, i32, i32) {
    %c0_i32 = arith.constant 0 : i32
    %c0_i32_0 = arith.constant 0 : i32
    %c0_i32_1 = arith.constant 0 : i32
    return %arg0, %c0_i32, %c0_i32_0 : i32, i32, i32
  }
  func.func @transform_1(%arg0: i32) -> (i32, i32, i32) {
    %c0_i32 = arith.constant 0 : i32
    %c0_i32_0 = arith.constant 0 : i32
    %c0_i32_1 = arith.constant 0 : i32
    return %arg0, %c0_i32, %c0_i32_0 : i32, i32, i32
  }
  func.func @transform_2(%arg0: i32) -> (i32, i32) {
    %c0_i32 = arith.constant 0 : i32
    %c0_i32_0 = arith.constant 0 : i32
    %c0_i32_1 = arith.constant 0 : i32
    return %c0_i32, %c0_i32_0 : i32, i32
  }
  func.func @transform_3(%arg0: i32) -> (i32, i32, i32) {
    %c0_i32 = arith.constant 0 : i32
    %c0_i32_0 = arith.constant 0 : i32
    %c0_i32_1 = arith.constant 0 : i32
    return %arg0, %c0_i32, %c0_i32_0 : i32, i32, i32
  }
}

</mosaic_0001>

<sc_bundles>
// kernel: kernel.4.cloned.1.call-start
scs
__scs_entry_jumppad:
0x0: {  	(pc) =	sbr.rel $0x88, $3  }
0x1: {  	(tag) =	ssettag $0x0;
	lr =	simm.s32 $0x1  }
0x2: {  	[smem:$0x3F9D] =	sst lr;
	_ =	strace $0xD0000000  }
0x3: {  	_ = 	snop  }
0x4: {  	_ = 	snop  }
0x5: {  	_ = 	snop  }
0x6: {  	_ = 	snop  }
0x7: {  	_ = 	snop  }
__scs_overlays_trampoline_lowered:
0x8: {  	[smem:$0x3FAC] =	sst s0  }
0x9: {  	[smem:$0x3FAD] =	sst s1  }
0xa: {  	[smem:$0x3FAE] =	sst s2  }
0xb: {  	[smem:$0x3FAF] =	sst s3  }
0xc: {  	[smem:$0x3FB0] =	sst s4  }
0xd: {  	[smem:$0x3FB1] =	sst s5  }
0xe: {  	[smem:$0x3FB2] =	sst s6  }
0xf: {  	[smem:$0x3FB3] =	sst s7  }
0x10: {  	[smem:$0x3FB4] =	sst s8  }
0x11: {  	[smem:$0x3FB5] =	sst s9;
	s0 =	simm.s32 @!p0 $0x0  }
0x12: {  	s1 =	sld [smem:$0x3F9B];
	s0 =	simm.s32 @p0 $0x1  }
0x13: {  	[smem:$0x3FB6] =	sst s0;
	s0 =	simm.s32 @!p1 $0x0  }
0x14: {  	s2 =	sld [smem:$0x3F9A];
	s0 =	simm.s32 @p1 $0x1  }
0x15: {  	[smem:$0x3FB7] =	sst s0;
	s0 =	simm.s32 @!p2 $0x0  }
0x16: {  	s3 =	sld [smem:$0x3FDB];
	s0 =	simm.s32 @p2 $0x1  }
0x17: {  	s4 =	simm.s32 $0x1BF5;
	[smem:$0x3FB9] =	sst s0  }
0x18: {  	s0 =	sld [smem:$0x3F9C];
	_ =	swait.ge [sflag:s4], $0x0  }
0x19: {  	s7 =	sld [smem:$0x3F9D]  }
0x1a: {  	s8 =	sadd.s32 $0xFFFFE003, lr  }
0x1b: {  	s9 =	sadd.s32 $0xFFFFFEF7, lr;
	s5 =	simm.s32 $0xFFFFFFFF;
	p2 =	slt.u32 s8, $0xFFFFF086  }
0x1c: {  	p1 =	slt.u32 s9, $0xF7A;
	s5 =	simm.s32 @!p2 $0x0  }
0x1d: {  	s5 =	simm.s32 @p1 $0x1;
	p0 =	seq.s32 s7, s2  }
0x1e: {  	s7 =	smul.u32 @!p0 $0xF7A, s2;
	p2 =	seq.s32 @!p0 s5, $0x0  }
0x1f: {  	s9 =	smul.u32 $0xF7A, s1;
	s8 =	simm.s32 @!p0 $0x1BF5;
	p2 =	por !p2, p0  }
0x20: {  	[sflag:s8] =	ssyncset.s32 @!p0 $0xFFFFF086;
	s6 =	sadd.s32 @!p0 s3, s7;
	s7 =	simm.s32 @!p0 $0x108  }
0x21: {  	s3 =	sadd.s32 s3, s9;
	s6 =	sadd.s32 @!p0 $0x88, s6;
	s7 =	simm.s32 @p2 $0x1082  }
0x22: {  	[simem:s7], [sflag:s8] =	dma.local @!p0 [hbm:s6], $0xF7A  }
0x23: {  	s9 =	sor.u32 $0xD0000000, s2;
	s6 =	simm.s32 $0x108;
	_ =	swait.ge @!p0 [sflag:s8], $0x0  }
0x24: {  	s3 =	sadd.s32 $0x88, s3;
	s6 =	simm.s32 @!p1 $0x1082;
	[sflag:s4] =	ssyncset.s32 $0xFFFFF086  }
0x25: {  	[simem:s6], [sflag:s4] =	dma.local [hbm:s3], $0xF7A  }
0x26: {  	[smem:$0x3F9D] =	sst s1;
	(tag) =	ssettag s2;
	_ =	strace s9  }
0x27: {  	s1 =	sld [smem:$0x3FAD]  }
0x28: {  	s2 =	sld [smem:$0x3FAE]  }
0x29: {  	s4 =	sld [smem:$0x3FB0]  }
0x2a: {  	p0 =	seq.s32 s5, $0x0;
	s5 =	sld [smem:$0x3FB1]  }
0x2b: {  	s6 =	sld [smem:$0x3FB2]  }
0x2c: {  	s7 =	sld [smem:$0x3FB3]  }
0x2d: {  	s3 =	simm.s32 $0x108;
	s8 =	sld [smem:$0x3FB4]  }
0x2e: {  	s3 =	simm.s32 @!p0 $0x1082;
	s9 =	sld [smem:$0x3FB5]  }
0x2f: {  	lr =	sadd.s32 s0, s3;
	s0 =	sld [smem:$0x3FAC]  }
0x30: {  	s3 =	sld [smem:$0x3FAF]  }
0x31: {  	[smem:$0x3FB8] =	sst s10  }
0x32: {  	s10 =	sld [smem:$0x3FB6];
	_ =	sdelay $0x3  }
0x33: {  	p0 =	seq.s32 s10, $0x1;
	s10 =	sld [smem:$0x3FB8];
	_ =	sdelay $0x3  }
0x34: {  	[smem:$0x3FB8] =	sst s10  }
0x35: {  	s10 =	sld [smem:$0x3FB7];
	_ =	sdelay $0x3  }
0x36: {  	p1 =	seq.s32 s10, $0x1;
	s10 =	sld [smem:$0x3FB8];
	_ =	sdelay $0x3  }
0x37: {  	[smem:$0x3FB8] =	sst s10  }
0x38: {  	s10 =	sld [smem:$0x3FB9]  }
0x39: {  	_ = 	snop;
	(pc) =	sbr.ind lr, $3  }
0x3a: {  	_ = 	snop  }
0x3b: {  	_ = 	snop  }
0x3c: {  	p2 =	seq.s32 s10, $0x1;
	s10 =	sld [smem:$0x3FB8]  }
0x3d: {  	_ =	shalt  }
0x3e: {  	_ =	shalt  }
0x3f: {  	_ =	shalt  }
0x40: {  	_ =	shalt  }
0x41: {  	_ =	shalt  }
0x42: {  	_ =	shalt  }
0x43: {  	_ =	shalt  }
0x44: {  	_ =	shalt  }
0x45: {  	_ =	shalt  }
0x46: {  	_ =	shalt  }
0x47: {  	_ =	shalt  }
0x48: {  	_ =	shalt  }
0x49: {  	_ =	shalt  }
0x4a: {  	_ =	shalt  }
0x4b: {  	_ =	shalt  }
0x4c: {  	_ =	shalt  }
0x4d: {  	_ =	shalt  }
0x4e: {  	_ =	shalt  }
0x4f: {  	_ =	shalt  }
0x50: {  	_ =	shalt  }
0x51: {  	_ =	shalt  }
0x52: {  	_ =	shalt  }
0x53: {  	_ =	shalt  }
0x54: {  	_ =	shalt  }
0x55: {  	_ =	shalt  }
0x56: {  	_ =	shalt  }
0x57: {  	_ =	shalt  }
0x58: {  	_ =	shalt  }
0x59: {  	_ =	shalt  }
0x5a: {  	_ =	shalt  }
0x5b: {  	_ =	shalt  }
0x5c: {  	_ =	shalt  }
0x5d: {  	_ =	shalt  }
0x5e: {  	_ =	shalt  }
0x5f: {  	_ =	shalt  }
0x60: {  	_ =	shalt  }
0x61: {  	_ =	shalt  }
0x62: {  	_ =	shalt  }
0x63: {  	_ =	shalt  }
0x64: {  	_ =	shalt  }
0x65: {  	_ =	shalt  }
0x66: {  	_ =	shalt  }
0x67: {  	_ =	shalt  }
0x68: {  	_ =	shalt  }
0x69: {  	_ =	shalt  }
0x6a: {  	_ =	shalt  }
0x6b: {  	_ =	shalt  }
0x6c: {  	_ =	shalt  }
0x6d: {  	_ =	shalt  }
0x6e: {  	_ =	shalt  }
0x6f: {  	_ =	shalt  }
0x70: {  	_ =	shalt  }
0x71: {  	_ =	shalt  }
0x72: {  	_ =	shalt  }
0x73: {  	_ =	shalt  }
0x74: {  	_ =	shalt  }
0x75: {  	_ =	shalt  }
0x76: {  	_ =	shalt  }
0x77: {  	_ =	shalt  }
0x78: {  	_ =	shalt  }
0x79: {  	_ =	shalt  }
0x7a: {  	_ =	shalt  }
0x7b: {  	_ =	shalt  }
0x7c: {  	_ =	shalt  }
0x7d: {  	_ =	shalt  }
0x7e: {  	_ =	shalt  }
0x7f: {  	_ =	shalt  }
0x80: {  	_ =	shalt  }
0x81: {  	_ =	shalt  }
0x82: {  	_ =	shalt  }
0x83: {  	_ =	shalt  }
0x84: {  	_ =	shalt  }
0x85: {  	_ =	shalt  }
0x86: {  	_ =	shalt  }
0x87: {  	_ =	shalt  }
.Lfunc_end0:
.L_simem_size_0:
called_computation_lowered:
.L_overlay_start_0:
0x88: {  	s2 =	sld [smem:$0x3FD9]  }
0x89: {  	s3 =	sld [smem:$0x3FFE];
	_ =	sdelay $0x1  }
0x8a: {  	s1 =	srdreg.scid  }
0x8b: {  	s0 =	sand.u32 $0x1, s1  }
0x8c: {  	s15 =	sshll.u32 s0, $0xA;
	s2 =	sadd.s32 s3, s2  }
0x8d: {  	s2 =	sadd.s32 s2, s15  }
0x8e: {  	[smem:$0x3FC4] =	sst s2  }
0x8f: {  	_ = 	snop  }
0x90: {  	s2 =	sld [smem:$0x3FD0]  }
0x91: {  	s16 =	sld [smem:$0x3FC9]  }
0x92: {  	s4 =	sld [smem:$0x3FC8]  }
0x93: {  	s6 =	simm.s32 $0xA;
	s7 =	simm.s32 $0x10;
	s5 =	sld [smem:$0x3FC7]  }
0x94: {  	[smem:s7], [sflag:s6] =	dma.local [hbm:s2], $0x1  }
0x95: {  	_ =	swait.eq [sflag:s6], $0x1  }
0x96: {  	[sflag:s6] =	ssyncset.done $0x0  }
0x97: {  	[sflag:s6] =	ssyncadd.s32 $0xFFFFFFFF  }
0x98: {  	s17 =	sld [smem:$0x10];
	(tm) =	ssettm $0x1  }
0x99: {  	s18 =	sld [smem:$0x3FFB];
	_ =	sdelay $0x3  }
0x9a: {  	_ =	strace s18  }
0x9b: {  	s6 =	sld [smem:$0x3FFC];
	_ =	sdelay $0x3  }
0x9c: {  	_ =	strace s6  }
0x9d: {  	s6 =	sld [smem:$0x3FFD];
	_ =	sdelay $0x3  }
0x9e: {  	_ =	strace s6  }
0x9f: {  	_ =	strace $0x8FFFFFFF  }
0xa0: {  	s19 =	sld [smem:$0x3FDB];
	_ =	sdelay $0x1  }
0xa1: {  	s20 =	simm.s32 $_scs_section_size  }
0xa2: {  	s8 =	simm.s32 $_size__tile_overlayer_lowered;
	s9 =	simm.s32 $_tile_overlayer_lowered  }
0xa3: {  	s23 =	simm.s32 $0x1BFF;
	s22 =	sshll.u32 s9, $0x1;
	s6 =	sadd.s32 s20, s19  }
0xa4: {  	s10 =	simm.s32 $0x0;
	s21 =	sshll.u32 s8, $0x1;
	s8 =	sadd.s32 s22, s6  }
0xa5: {  	[timem:s10], [sflag:s23] =	dma.local [hbm:s8], s21  }
0xa6: {  	_ =	swait.ge [sflag:s23], s21  }
0xa7: {  	s7 =	ssub.s32 $0x0, s21;
	[sflag:s23] =	ssyncset.done $0x0  }
0xa8: {  	[sflag:s23] =	ssyncadd.s32 s7;
	_ =	sdelay $0x1  }
0xa9: {  	s24 =	simm.s32 $0x1B8B  }
0xaa: {  	_ =	swait.ge [sflag:s24], $0x1  }
0xab: {  	[sflag:s24] =	ssyncset.done $0x0  }
0xac: {  	s25 =	simm.s32 $0x1B8E;
	[sflag:s24] =	ssyncadd.s32 $0xFFFFFFFF  }
0xad: {  	s26 =	simm.s32 $execute0_lowered;
	[smem:$0x3FD2] =	sst s25  }
0xae: {  	s7 =	sshll.u32 s26, $0x1;
	_ =	strace $0x80000046;
	[dreg:$0x1] =	wrdreg $0xFFFFFFFF  }
0xaf: {  	s28 =	simm.s32 $_size_execute0_lowered;
	s6 =	sadd.s32 s6, s7;
	[dreg:$0x0] =	wrdreg $0x0  }
0xb0: {  	s7 =	sshll.u32 s28, $0x1;
	[dreg:$0x2] =	wrdreg s6  }
0xb1: {  	[dreg:$0x3] =	wrdreg s7  }
0xb2: {  	[dreg:$0x4] =	wrdreg $0xC0  }
0xb3: {  	_ =	task [dreg:s10], $0x5FFFF  }
0xb4: {  	[dreg:$0x1] =	wrdreg $0xFFFFFFFF  }
0xb5: {  	[dreg:$0x0] =	wrdreg $0x60  }
0xb6: {  	[dreg:$0x2] =	wrdreg s16  }
0xb7: {  	[dreg:$0x3] =	wrdreg s4  }
0xb8: {  	[dreg:$0x4] =	wrdreg s5  }
0xb9: {  	[dreg:$0x5] =	wrdreg s17  }
0xba: {  	[dreg:$0x6] =	wrdreg $0x9  }
0xbb: {  	_ =	task.clear_ibuf [dreg:s10], $0x7FFFF;
	_ =	strace $0x90000046  }
0xbc: {  	s29 =	simm.s32 $0x9;
	_ =	strace $0x80000048  }
0xbd: {  	_ =	swait.ge [sflag:s29], $0x1  }
0xbe: {  	[sflag:s29] =	ssyncadd.s32 $0xFFFFFFFF  }
0xbf: {  	_ =	strace $0x90000048  }
0xc0: {  	_ =	sfence  }
0xc1: {  	s30 =	sld [smem:$0x0];
	_ =	sdelay $0x2  }
0xc2: {  	s31 =	sshll.u32 s1, $0xD;
	s1 =	sshrl.u32 s1, $0x2  }
0xc3: {  	s3 =	sand.u32 $0x4000, s31;
	s1 =	sadd.s32 s1, s30  }
0xc4: {  	s0 =	sor.u32 s3, s0;
	s1 =	sshll.u32 s1, $0x11  }
0xc5: {  	s0 =	sor.u32 s1, s0  }
0xc6: {  	s0 =	sadd.s32 $0x8F2B, s0  }
0xc7: {  	[sflag:s0] =	ssyncadd.remote.s32 $0x1  }
0xc8: {  	_ =	sfence.sel $0xFFFF  }
0xc9: {  	[dreg:$0x0] =	wrdreg $0xFFFFFFFF;
	(pc) =	sbr.abs _section_cstart, $3  }
0xca: {  	[dreg:$0x1] =	wrdreg $0xFFFFFFFF  }
0xcb: {  	_ =	task.clear_ibuf [dreg:s10], $0x2FFFF;
	_ =	strace $0x9FFFFFFF  }
0xcc: {  	(tm) =	ssettm $0x7FFFFFFF  }
0xcd: {  	_ =	shalt  }
tec
execute0_lowered:
.L_overlay_start_1:
0x0: {  	(tag) =	ssettag $0x1  }
0x1: {  	s0 =	rddreg [dreg:$0x0]  }
0x2: {  	s1 =	rddreg [dreg:$0x1]  }
0x3: {  	s2 =	simm.s32 $0x0;
	s5 =	stileid.u32;
	s25 =	srdreg.scid  }
0x4: {  	[smem:$0x7FF] =	sst s2;
	s3 =	sshll.u32 s5, $0x1;
	s2 =	sand.u32 $0x1, s25  }
0x5: {  	s5 =	sshrl.u32 s5, $0x2;
	_ =	strace $0x80000047;
	s3 =	sand.u32 $0x6, s3  }
0x6: {  	s4 =	ssub.s32 $0x2, s2;
	s30 =	smul.u32 $0x300000, s5;
	s2 =	sor.u32 s2, s3  }
0x7: {  	s7 =	sshll.u32 s5, $0x4;
	s26 =	sshrl.u32 s4, $0x1;
	s6 =	sshll.u32 s2, $0x8  }
0x8: {  	s3 =	ssub.s32 s4, s26;
	s2 =	sshll.u32 s2, $0x9;
	[dreg:$0x10] =	wrdreg s30  }
0x9: {  	[dreg:$0xd] =	wrdreg s2;
	s28 =	sor.u32 s7, s6;
	s31 =	smax.u32 s3, $0x1  }
0xa: {  	s0 =	sadd.s32 s0, s28;
	[dreg:$0x11] =	wrdreg s31  }
0xb: {  	s29 =	sadd.s32 s1, s28;
	[dreg:$0xe] =	wrdreg s0  }
0xc: {  	s2 =	simm.s32 $0x0;
	[dreg:$0xf] =	wrdreg s29  }
.LBB2_1:
0xd: {  	[dreg:$0x12] =	wrdreg s2  }
0xe: {  	s0 =	rddreg [dreg:$0x2];
	s1 =	simm.s32 $0x0;
	s26 =	simm.s32 $0x3  }
0xf: {  	[tilespmem:s1], [sflag:$0x3] =	stream.linear.gather [hbm4b:s0+s1], $0x1800, $0x38;
	[tilespmem:$0x19D00] =	vst v63  }
0x10: {  	_ =	swait.ge [sflag:s26], $0x1800  }
0x11: {  	s29 =	simm.s32 $0x80;
	s3 =	simm.s32 $0x200;
	[sflag:s26] =	ssyncset.done $0x0  }
0x12: {  	s4 =	simm.s32 $0x1800;
	s28 =	rddreg [dreg:$0xe];
	[sflag:s26] =	ssyncadd.s32 $0xFFFFE800  }
0x13: {  	[tilespmem:s4], [sflag:$0x3] =	stream.strided.gather [hbm4b:s28+s29], $0x200, s3, s29, $0x38;
	[tilespmem:$0x19D00] =	vst v63  }
0x14: {  	_ =	swait.ge [sflag:s26], $0x200  }
0x15: {  	[sflag:s26] =	ssyncset.done $0x0  }
0x16: {  	s31 =	simm.s32 $0x1A80;
	s30 =	rddreg [dreg:$0xf];
	[sflag:s26] =	ssyncadd.s32 $0xFFFFFE00  }
0x17: {  	[tilespmem:s31], [sflag:$0x3] =	stream.strided.gather [hbm4b:s30+s29], $0x200, s3, s29, $0x38;
	[tilespmem:$0x19D00] =	vst v63  }
0x18: {  	_ =	swait.ge [sflag:s26], $0x200  }
0x19: {  	p0 =	por $0x0, $0x0;
	s7 =	simm.s32 $0x1801;
	[sflag:s26] =	ssyncset.done $0x0  }
0x1a: {  	s11 =	simm.s32 $0x1A81;
	s5 =	simm.s32 $0x0;
	[sflag:s26] =	ssyncadd.s32 $0xFFFFFE00  }
.LBB2_2:
0x1b: {  	p1 =	slt.u32 s5, $0x2  }
0x1c: {  	s0 =	simm.s32 $0x1;
	s1 =	sand.u32 @!p1 $0x1, s5  }
0x1d: {  	[dreg:$0x15] =	wrdreg s5;
	s0 =	simm.s32 @!p0 $0x0;
	p2 =	seq.s32 @!p1 s1, $0x1  }
0x1e: {  	s0 =	sshll.u32 s0, $0x6;
	s1 =	simm.s32 @!p1 $0x2;
	p2 =	por !p2, p1  }
0x1f: {  	[dreg:$0x5] =	wrdreg s0;
	s1 =	simm.s32 @p2 $0x1  }
0x20: {  	_ =	swait.ge @!p1 [sflag:s1], $0xC000  }
0x21: {  	[sflag:s1] =	ssyncset.done @!p1 $0x0  }
0x22: {  	[sflag:s1] =	ssyncadd.s32 @!p1 $0xFFFF4000  }
0x23: {  	v0 =	vld [tilespmem:s7+$0x0];
	_ =	sdelay $0x4  }
0x24: {  	(v2sf) =	vpush v0, $0x0;
	_ =	sdelay $0x3  }
0x25: {  	v0 =	vld [tilespmem:s7+$0xFFFFFFFF];
	_ =	sdelay $0x4  }
0x26: {  	(v2sf) =	vpush v0, $0x0;
	_ =	sdelay $0x5  }
0x27: {  	s16 =	spop (v2sf)  }
0x28: {  	s17 =	sshrl.u32 s16, $0x3  }
0x29: {  	s1 =	smul.u32 $0x6000, s17  }
0x2a: {  	s0 =	sshll.u32 s16, $0x7  }
0x2b: {  	s0 =	sand.u32 $0x380, s0;
	s1 =	sshra.s32 s1, $0x2  }
0x2c: {  	s2 =	rddreg [dreg:$0x5];
	v9 =	vld.msk [tilespmem:s11+$0x0 ss:$0x0], $0xffff;
	s6 =	sor.u32 s0, s1  }
0x2d: {  	s18 =	sadd.s32 $0x0, s2;
	v0 =	vld [tilespmem:s6+$0x0]  }
0x2e: {  	s0 =	sshrl.u32 s18, $0x3  }
0x2f: {  	s0 =	smul.u32 $0x6000, s0  }
0x30: {  	s19 =	spop (v2sf)  }
0x31: {  	s4 =	simm.s32 $0x80;
	s20 =	sshrl.u32 s19, $0x3;
	s15 =	sshra.s32 s0, $0x2  }
0x32: {  	s5 =	sand.u32 $0x380, s4;
	s2 =	smul.u32 $0x6000, s20;
	s22 =	sadd.s32 $0x1D00, s15;
	v1 =	vmul.f32 v9, v0  }
0x33: {  	s1 =	sshll.u32 s19, $0x7;
	s10 =	sadd.s32 s5, s22  }
0x34: {  	s1 =	sand.u32 $0x380, s1;
	s21 =	sshra.s32 s2, $0x2;
	v0 =	vld.msk [tilespmem:s11+$0xFFFFFFFF ss:$0x0], $0xffff;
	[tilespmem:s10+$0x0] =	vst v1  }
0x35: {  	s26 =	sor.u32 s1, s21;
	v1 =	vld [tilespmem:s6+$0x10]  }
0x36: {  	v2 =	vld [tilespmem:s26+$0x0];
	_ =	sdelay $0x3  }
0x37: {  	s23 =	simm.s32 $0x0;
	v1 =	vmul.f32 v1, v9  }
0x38: {  	s18 =	sand.u32 $0x300, s23;
	v2 =	vmul.f32 v0, v2  }
0x39: {  	s1 =	sadd.s32 s18, s22;
	[tilespmem:s10+$0x10] =	vst v1  }
0x3a: {  	[tilespmem:s1+$0x0] =	vst v2;
	v1 =	vld [tilespmem:s6+$0x20]  }
0x3b: {  	v2 =	vld [tilespmem:s26+$0x10];
	_ =	sdelay $0x3  }
0x3c: {  	v1 =	vmul.f32 v1, v9  }
0x3d: {  	v2 =	vmul.f32 v2, v0  }
0x3e: {  	[tilespmem:s10+$0x20] =	vst v1  }
0x3f: {  	[tilespmem:s1+$0x10] =	vst v2;
	v1 =	vld [tilespmem:s6+$0x30]  }
0x40: {  	v2 =	vld [tilespmem:s26+$0x20];
	_ =	sdelay $0x3  }
0x41: {  	v1 =	vmul.f32 v1, v9  }
0x42: {  	v2 =	vmul.f32 v2, v0  }
0x43: {  	[tilespmem:s10+$0x30] =	vst v1  }
0x44: {  	[tilespmem:s1+$0x20] =	vst v2;
	v1 =	vld [tilespmem:s6+$0x40]  }
0x45: {  	v2 =	vld [tilespmem:s26+$0x30];
	_ =	sdelay $0x3  }
0x46: {  	v1 =	vmul.f32 v1, v9  }
0x47: {  	v2 =	vmul.f32 v2, v0  }
0x48: {  	[tilespmem:s10+$0x40] =	vst v1  }
0x49: {  	[tilespmem:s1+$0x30] =	vst v2;
	v1 =	vld [tilespmem:s6+$0x50]  }
0x4a: {  	v2 =	vld [tilespmem:s26+$0x40];
	_ =	sdelay $0x3  }
0x4b: {  	v1 =	vmul.f32 v1, v9  }
0x4c: {  	v2 =	vmul.f32 v2, v0  }
0x4d: {  	[tilespmem:s10+$0x50] =	vst v1  }
0x4e: {  	[tilespmem:s1+$0x40] =	vst v2;
	v1 =	vld [tilespmem:s6+$0x60]  }
0x4f: {  	v2 =	vld [tilespmem:s26+$0x50];
	_ =	sdelay $0x3  }
0x50: {  	v1 =	vmul.f32 v1, v9  }
0x51: {  	v2 =	vmul.f32 v2, v0  }
0x52: {  	[tilespmem:s10+$0x60] =	vst v1  }
0x53: {  	[tilespmem:s1+$0x50] =	vst v2;
	v1 =	vld [tilespmem:s6+$0x70]  }
0x54: {  	v2 =	vld [tilespmem:s26+$0x60];
	_ =	sdelay $0x3  }
0x55: {  	v1 =	vmul.f32 v1, v9  }
0x56: {  	v2 =	vmul.f32 v2, v0  }
0x57: {  	[tilespmem:s10+$0x70] =	vst v1  }
0x58: {  	[tilespmem:s1+$0x60] =	vst v2;
	v1 =	vld [tilespmem:s6+$0x400]  }
0x59: {  	v2 =	vld [tilespmem:s26+$0x70];
	_ =	sdelay $0x3  }
0x5a: {  	v1 =	vmul.f32 v1, v9  }
0x5b: {  	v2 =	vmul.f32 v2, v0  }
0x5c: {  	[tilespmem:s10+$0x400] =	vst v1  }
0x5d: {  	[tilespmem:s1+$0x70] =	vst v2;
	v1 =	vld [tilespmem:s6+$0x410]  }
0x5e: {  	s24 =	sadd.s32 $0x2, s7;
	v2 =	vld [tilespmem:s26+$0x400];
	[dreg:$0x13] =	wrdreg s7  }
0x5f: {  	v3 =	vld [tilespmem:s24+$0x0];
	_ =	sdelay $0x2  }
0x60: {  	v1 =	vmul.f32 v1, v9;
	_ =	sdelay $0x1  }
0x61: {  	v4 =	vld [tilespmem:s24+$0xFFFFFFFF];
	v2 =	vmul.f32 v2, v0;
	(v2sf) =	vpush v3, $0x0;
	[tilespmem:s10+$0x410] =	vst v1  }
0x62: {  	v1 =	vld [tilespmem:s6+$0x420]  }
0x63: {  	[tilespmem:s1+$0x400] =	vst v2  }
0x64: {  	v2 =	vld [tilespmem:s26+$0x410];
	_ =	sdelay $0x1  }
0x65: {  	(v2sf) =	vpush v4, $0x0  }
0x66: {  	v1 =	vmul.f32 v1, v9;
	_ =	sdelay $0x1  }
0x67: {  	v2 =	vmul.f32 v2, v0;
	[tilespmem:s10+$0x420] =	vst v1  }
0x68: {  	v1 =	vld [tilespmem:s6+$0x430]  }
0x69: {  	[tilespmem:s1+$0x410] =	vst v2  }
0x6a: {  	v2 =	vld [tilespmem:s26+$0x420];
	_ =	sdelay $0x2  }
0x6b: {  	v1 =	vmul.f32 v1, v9  }
0x6c: {  	s25 =	spop (v2sf)  }
0x6d: {  	v2 =	vmul.f32 v2, v0;
	s3 =	sshrl.u32 s25, $0x3;
	[tilespmem:s10+$0x430] =	vst v1  }
0x6e: {  	s8 =	smul.u32 $0x6000, s3;
	v1 =	vld [tilespmem:s6+$0x440]  }
0x6f: {  	s4 =	sadd.s32 $0x2, s11;
	[tilespmem:s1+$0x420] =	vst v2;
	s0 =	sshll.u32 s25, $0x7  }
0x70: {  	v3 =	vld [tilespmem:s26+$0x430];
	s0 =	sand.u32 $0x380, s0;
	[dreg:$0x14] =	wrdreg s11;
	s8 =	sshra.s32 s8, $0x2  }
0x71: {  	s9 =	rddreg [dreg:$0x5];
	s12 =	spop (v2sf);
	v2 =	vld.msk [tilespmem:s4+$0x0 ss:$0x0], $0xffff;
	s23 =	sor.u32 s0, s8  }
0x72: {  	s14 =	sadd.s32 $0x2, s9;
	s13 =	sshrl.u32 s12, $0x3;
	v4 =	vld [tilespmem:s23+$0x0]  }
0x73: {  	s0 =	smul.u32 $0x6000, s13;
	s8 =	sshrl.u32 s14, $0x3;
	v5 =	vmul.f32 v1, v9  }
0x74: {  	s8 =	smul.u32 $0x6000, s8  }
0x75: {  	s17 =	simm.s32 $0x180;
	s16 =	sshll.u32 s12, $0x7;
	[tilespmem:s10+$0x440] =	vst v5  }
0x76: {  	s11 =	sand.u32 $0x380, s16;
	v3 =	vmul.f32 v3, v0;
	s0 =	sshra.s32 s0, $0x2;
	s9 =	sshra.s32 s8, $0x2;
	v5 =	vld [tilespmem:s6+$0x450]  }
0x77: {  	s3 =	sand.u32 $0x380, s17;
	v1 =	vld.msk [tilespmem:s4+$0xFFFFFFFF ss:$0x0], $0xffff;
	s28 =	sor.u32 s11, s0;
	s19 =	sadd.s32 $0x1D00, s9;
	v4 =	vmul.f32 v2, v4  }
0x78: {  	[tilespmem:s1+$0x430] =	vst v3;
	v3 =	vld [tilespmem:s28+$0x0];
	s8 =	sadd.s32 s3, s19  }
0x79: {  	v6 =	vld [tilespmem:s26+$0x440];
	[tilespmem:s8+$0x0] =	vst v4  }
0x7a: {  	v4 =	vld [tilespmem:s23+$0x10]  }
0x7b: {  	v5 =	vmul.f32 v5, v9  }
0x7c: {  	s20 =	simm.s32 $0x100  }
0x7d: {  	s17 =	sand.u32 $0x300, s20;
	v3 =	vmul.f32 v1, v3;
	[tilespmem:s10+$0x450] =	vst v5  }
0x7e: {  	s0 =	sadd.s32 s17, s19;
	v6 =	vmul.f32 v6, v0;
	v5 =	vld [tilespmem:s6+$0x460]  }
0x7f: {  	[tilespmem:s0+$0x0] =	vst v3;
	v3 =	vmul.f32 v4, v2  }
0x80: {  	[tilespmem:s1+$0x440] =	vst v6;
	v4 =	vld [tilespmem:s28+$0x10]  }
0x81: {  	v6 =	vld [tilespmem:s26+$0x450];
	[tilespmem:s8+$0x10] =	vst v3  }
0x82: {  	v3 =	vld [tilespmem:s23+$0x20]  }
0x83: {  	v5 =	vmul.f32 v5, v9;
	_ =	sdelay $0x1  }
0x84: {  	v4 =	vmul.f32 v4, v1;
	[tilespmem:s10+$0x460] =	vst v5  }
0x85: {  	v6 =	vmul.f32 v6, v0;
	v5 =	vld [tilespmem:s6+$0x470]  }
0x86: {  	[tilespmem:s0+$0x10] =	vst v4;
	v3 =	vmul.f32 v3, v2  }
0x87: {  	[tilespmem:s1+$0x450] =	vst v6;
	v4 =	vld [tilespmem:s28+$0x20]  }
0x88: {  	v6 =	vld [tilespmem:s26+$0x460];
	[tilespmem:s8+$0x20] =	vst v3  }
0x89: {  	v3 =	vld [tilespmem:s23+$0x30]  }
0x8a: {  	v5 =	vmul.f32 v5, v9;
	_ =	sdelay $0x1  }
0x8b: {  	v4 =	vmul.f32 v4, v1;
	[tilespmem:s10+$0x470] =	vst v5  }
0x8c: {  	v6 =	vmul.f32 v6, v0;
	v5 =	vld [tilespmem:s6+$0x800]  }
0x8d: {  	[tilespmem:s0+$0x20] =	vst v4;
	v3 =	vmul.f32 v3, v2  }
0x8e: {  	[tilespmem:s1+$0x460] =	vst v6;
	v4 =	vld [tilespmem:s28+$0x30]  }
0x8f: {  	v6 =	vld [tilespmem:s26+$0x470];
	[tilespmem:s8+$0x30] =	vst v3  }
0x90: {  	v3 =	vld [tilespmem:s23+$0x40]  }
0x91: {  	s21 =	sadd.s32 $0x2500, s15;
	v5 =	vmul.f32 v5, v9  }
0x92: {  	s22 =	sadd.s32 s5, s21  }
0x93: {  	v4 =	vmul.f32 v4, v1;
	[tilespmem:s22+$0x0] =	vst v5  }
0x94: {  	v6 =	vmul.f32 v6, v0;
	v5 =	vld [tilespmem:s6+$0x810]  }
0x95: {  	[tilespmem:s0+$0x30] =	vst v4;
	v3 =	vmul.f32 v3, v2  }
0x96: {  	[tilespmem:s1+$0x470] =	vst v6;
	v4 =	vld [tilespmem:s28+$0x40]  }
0x97: {  	v6 =	vld [tilespmem:s26+$0x800];
	[tilespmem:s8+$0x40] =	vst v3  }
0x98: {  	v3 =	vld [tilespmem:s23+$0x50]  }
0x99: {  	v5 =	vmul.f32 v5, v9;
	_ =	sdelay $0x1  }
0x9a: {  	v4 =	vmul.f32 v4, v1;
	[tilespmem:s22+$0x10] =	vst v5  }
0x9b: {  	v6 =	vmul.f32 v6, v0;
	[dreg:$0x1a] =	wrdreg s18  }
0x9c: {  	s1 =	sadd.s32 s18, s21;
	v3 =	vmul.f32 v3, v2;
	v5 =	vld [tilespmem:s6+$0x820];
	[tilespmem:s0+$0x40] =	vst v4  }
0x9d: {  	[tilespmem:s1+$0x0] =	vst v6;
	v4 =	vld [tilespmem:s28+$0x50]  }
0x9e: {  	v6 =	vld [tilespmem:s26+$0x810];
	[tilespmem:s8+$0x50] =	vst v3  }
0x9f: {  	v3 =	vld [tilespmem:s23+$0x60];
	_ =	sdelay $0x1  }
0xa0: {  	v5 =	vmul.f32 v5, v9  }
0xa1: {  	v4 =	vmul.f32 v4, v1  }
0xa2: {  	v6 =	vmul.f32 v6, v0;
	[tilespmem:s22+$0x20] =	vst v5  }
0xa3: {  	v3 =	vmul.f32 v3, v2;
	v5 =	vld [tilespmem:s6+$0x830];
	[tilespmem:s0+$0x50] =	vst v4  }
0xa4: {  	[tilespmem:s1+$0x10] =	vst v6;
	v4 =	vld [tilespmem:s28+$0x60]  }
0xa5: {  	v6 =	vld [tilespmem:s26+$0x820];
	[tilespmem:s8+$0x60] =	vst v3  }
0xa6: {  	v3 =	vld [tilespmem:s23+$0x70];
	_ =	sdelay $0x1  }
0xa7: {  	v5 =	vmul.f32 v5, v9  }
0xa8: {  	v4 =	vmul.f32 v4, v1  }
0xa9: {  	v6 =	vmul.f32 v6, v0;
	[tilespmem:s22+$0x30] =	vst v5  }
0xaa: {  	v3 =	vmul.f32 v3, v2;
	v5 =	vld [tilespmem:s6+$0x840];
	[tilespmem:s0+$0x60] =	vst v4  }
0xab: {  	[tilespmem:s1+$0x20] =	vst v6;
	v4 =	vld [tilespmem:s28+$0x70]  }
0xac: {  	v6 =	vld [tilespmem:s26+$0x830];
	[tilespmem:s8+$0x70] =	vst v3  }
0xad: {  	v3 =	vld [tilespmem:s23+$0x400];
	_ =	sdelay $0x1  }
0xae: {  	v5 =	vmul.f32 v5, v9  }
0xaf: {  	s10 =	sadd.s32 $0x2, s24;
	v4 =	vmul.f32 v4, v1  }
0xb0: {  	v7 =	vld [tilespmem:s10+$0x0];
	v6 =	vmul.f32 v6, v0;
	[tilespmem:s22+$0x40] =	vst v5  }
0xb1: {  	v3 =	vmul.f32 v3, v2;
	v5 =	vld [tilespmem:s6+$0x850];
	[tilespmem:s0+$0x70] =	vst v4  }
0xb2: {  	[tilespmem:s1+$0x30] =	vst v6;
	v4 =	vld [tilespmem:s28+$0x400]  }
0xb3: {  	v6 =	vld [tilespmem:s26+$0x840];
	[tilespmem:s8+$0x400] =	vst v3  }
0xb4: {  	v3 =	vld [tilespmem:s23+$0x410];
	_ =	sdelay $0x1  }
0xb5: {  	(v2sf) =	vpush v7, $0x0;
	v5 =	vmul.f32 v5, v9  }
0xb6: {  	v4 =	vmul.f32 v4, v1  }
0xb7: {  	v8 =	vld [tilespmem:s10+$0xFFFFFFFF];
	v6 =	vmul.f32 v6, v0;
	[tilespmem:s22+$0x50] =	vst v5  }
0xb8: {  	v3 =	vmul.f32 v3, v2;
	v5 =	vld [tilespmem:s6+$0x860];
	[tilespmem:s0+$0x400] =	vst v4  }
0xb9: {  	[tilespmem:s1+$0x40] =	vst v6;
	v4 =	vld [tilespmem:s28+$0x410]  }
0xba: {  	[tilespmem:s8+$0x410] =	vst v3;
	v3 =	vld [tilespmem:s26+$0x850]  }
0xbb: {  	v6 =	vld [tilespmem:s23+$0x420];
	_ =	sdelay $0x1  }
0xbc: {  	v5 =	vmul.f32 v5, v9  }
0xbd: {  	v4 =	vmul.f32 v4, v1  }
0xbe: {  	(v2sf) =	vpush v8, $0x0;
	v3 =	vmul.f32 v3, v0;
	[tilespmem:s22+$0x60] =	vst v5  }
0xbf: {  	[tilespmem:s0+$0x410] =	vst v4;
	v4 =	vmul.f32 v6, v2;
	v5 =	vld [tilespmem:s6+$0x870]  }
0xc0: {  	[tilespmem:s1+$0x50] =	vst v3;
	v6 =	vld [tilespmem:s28+$0x420]  }
0xc1: {  	v3 =	vld [tilespmem:s26+$0x860];
	[tilespmem:s8+$0x420] =	vst v4  }
0xc2: {  	v4 =	vld [tilespmem:s23+$0x430]  }
0xc3: {  	s24 =	spop (v2sf)  }
0xc4: {  	s25 =	sshrl.u32 s24, $0x3;
	v5 =	vmul.f32 v5, v9  }
0xc5: {  	s11 =	smul.u32 $0x6000, s25;
	v6 =	vmul.f32 v6, v1  }
0xc6: {  	s7 =	sshll.u32 s24, $0x7;
	v3 =	vmul.f32 v3, v0;
	[tilespmem:s22+$0x70] =	vst v5  }
0xc7: {  	s2 =	sadd.s32 $0x2, s4;
	s7 =	sand.u32 $0x380, s7;
	s11 =	sshra.s32 s11, $0x2;
	[tilespmem:s0+$0x420] =	vst v6;
	v4 =	vmul.f32 v4, v2;
	v6 =	vld [tilespmem:s6+$0xC00]  }
0xc8: {  	s13 =	rddreg [dreg:$0x5];
	s24 =	sor.u32 s7, s11;
	[tilespmem:s1+$0x60] =	vst v3;
	v3 =	vld.msk [tilespmem:s2+$0x0 ss:$0x0], $0xffff  }
0xc9: {  	s4 =	sadd.s32 $0x4, s13;
	[tilespmem:s8+$0x430] =	vst v4;
	v4 =	vld [tilespmem:s24+$0x0]  }
0xca: {  	s7 =	sshrl.u32 s4, $0x3;
	v8 =	vld [tilespmem:s23+$0x440]  }
0xcb: {  	s19 =	sadd.s32 $0x2900, s15;
	s7 =	smul.u32 $0x6000, s7  }
0xcc: {  	s14 =	simm.s32 $0x280;
	s21 =	sadd.s32 s5, s19  }
0xcd: {  	s12 =	spop (v2sf);
	s29 =	sshra.s32 s7, $0x2;
	s22 =	sand.u32 $0x380, s14;
	v7 =	vld [tilespmem:s28+$0x430];
	v6 =	vmul.f32 v6, v9  }
0xce: {  	s11 =	sshrl.u32 s12, $0x3;
	s16 =	sadd.s32 $0x1D00, s29;
	v5 =	vld [tilespmem:s26+$0x870];
	[dreg:$0xb] =	wrdreg s22;
	v10 =	vmul.f32 v3, v4  }
0xcf: {  	s25 =	smul.u32 $0x6000, s11;
	s13 =	sadd.s32 s22, s16;
	[tilespmem:s21+$0x0] =	vst v6;
	v6 =	vmul.f32 v8, v2  }
0xd0: {  	s12 =	sshll.u32 s12, $0x7;
	v8 =	vld [tilespmem:s6+$0xC10];
	[tilespmem:s13+$0x0] =	vst v10  }
0xd1: {  	s12 =	sand.u32 $0x380, s12;
	s14 =	sshra.s32 s25, $0x2;
	[tilespmem:s8+$0x440] =	vst v6;
	v6 =	vld [tilespmem:s24+$0x10]  }
0xd2: {  	s25 =	sor.u32 s12, s14;
	v10 =	vld [tilespmem:s23+$0x450]  }
0xd3: {  	v11 =	vld [tilespmem:s25+$0x0]  }
0xd4: {  	v7 =	vmul.f32 v7, v1;
	v4 =	vld.msk [tilespmem:s2+$0xFFFFFFFF ss:$0x0], $0xffff  }
0xd5: {  	v8 =	vmul.f32 v8, v9  }
0xd6: {  	[tilespmem:s0+$0x430] =	vst v7;
	v6 =	vmul.f32 v6, v3  }
0xd7: {  	[tilespmem:s21+$0x10] =	vst v8;
	v8 =	vmul.f32 v10, v2  }
0xd8: {  	s4 =	simm.s32 $0x200;
	v7 =	vld [tilespmem:s28+$0x440];
	[tilespmem:s13+$0x10] =	vst v6  }
0xd9: {  	s20 =	sand.u32 $0x300, s4;
	v11 =	vmul.f32 v4, v11;
	v10 =	vld [tilespmem:s6+$0xC20];
	[tilespmem:s8+$0x450] =	vst v8  }
0xda: {  	s22 =	sadd.s32 s20, s16;
	v6 =	vld [tilespmem:s24+$0x20]  }
0xdb: {  	[tilespmem:s22+$0x0] =	vst v11;
	v8 =	vld [tilespmem:s23+$0x460]  }
0xdc: {  	v11 =	vld [tilespmem:s25+$0x10]  }
0xdd: {  	v7 =	vmul.f32 v7, v1  }
0xde: {  	v10 =	vmul.f32 v10, v9  }
0xdf: {  	[tilespmem:s0+$0x440] =	vst v7;
	v6 =	vmul.f32 v6, v3  }
0xe0: {  	v7 =	vld [tilespmem:s28+$0x450];
	[tilespmem:s21+$0x20] =	vst v10;
	v8 =	vmul.f32 v8, v2  }
0xe1: {  	v10 =	vld [tilespmem:s6+$0xC30];
	v11 =	vmul.f32 v11, v4;
	[tilespmem:s13+$0x20] =	vst v6  }
0xe2: {  	[tilespmem:s8+$0x460] =	vst v8;
	v6 =	vld [tilespmem:s24+$0x30]  }
0xe3: {  	[tilespmem:s22+$0x10] =	vst v11;
	v8 =	vld [tilespmem:s23+$0x470]  }
0xe4: {  	v11 =	vld [tilespmem:s25+$0x20]  }
0xe5: {  	v7 =	vmul.f32 v7, v1  }
0xe6: {  	v10 =	vmul.f32 v10, v9  }
0xe7: {  	[tilespmem:s0+$0x450] =	vst v7;
	v6 =	vmul.f32 v6, v3  }
0xe8: {  	v7 =	vld [tilespmem:s28+$0x460];
	[tilespmem:s21+$0x30] =	vst v10;
	v8 =	vmul.f32 v8, v2  }
0xe9: {  	v10 =	vld [tilespmem:s6+$0xC40];
	v11 =	vmul.f32 v11, v4;
	[tilespmem:s13+$0x30] =	vst v6  }
0xea: {  	[tilespmem:s8+$0x470] =	vst v8;
	v6 =	vld [tilespmem:s24+$0x40]  }
0xeb: {  	[tilespmem:s22+$0x20] =	vst v11;
	v8 =	vld [tilespmem:s23+$0x800]  }
0xec: {  	v11 =	vld [tilespmem:s25+$0x30]  }
0xed: {  	v7 =	vmul.f32 v7, v1  }
0xee: {  	v10 =	vmul.f32 v10, v9  }
0xef: {  	[tilespmem:s0+$0x460] =	vst v7;
	v6 =	vmul.f32 v6, v3  }
0xf0: {  	s8 =	sadd.s32 $0x2500, s9;
	v7 =	vld [tilespmem:s28+$0x470];
	[tilespmem:s21+$0x40] =	vst v10;
	v8 =	vmul.f32 v8, v2  }
0xf1: {  	s12 =	sadd.s32 s3, s8;
	v10 =	vld [tilespmem:s6+$0xC50];
	v11 =	vmul.f32 v11, v4;
	[tilespmem:s13+$0x40] =	vst v6  }
0xf2: {  	[tilespmem:s12+$0x0] =	vst v8;
	v6 =	vld [tilespmem:s24+$0x50]  }
0xf3: {  	[tilespmem:s22+$0x30] =	vst v11;
	v8 =	vld [tilespmem:s23+$0x810]  }
0xf4: {  	v11 =	vld [tilespmem:s25+$0x40]  }
0xf5: {  	v7 =	vmul.f32 v7, v1  }
0xf6: {  	v10 =	vmul.f32 v10, v9  }
0xf7: {  	[tilespmem:s0+$0x470] =	vst v7;
	v6 =	vmul.f32 v6, v3  }
0xf8: {  	v7 =	vld [tilespmem:s28+$0x800];
	[tilespmem:s21+$0x50] =	vst v10;
	v8 =	vmul.f32 v8, v2  }
0xf9: {  	v10 =	vld [tilespmem:s6+$0xC60];
	v11 =	vmul.f32 v11, v4;
	[tilespmem:s13+$0x50] =	vst v6  }
0xfa: {  	[tilespmem:s12+$0x10] =	vst v8;
	v6 =	vld [tilespmem:s24+$0x60]  }
0xfb: {  	[tilespmem:s22+$0x40] =	vst v11;
	v8 =	vld [tilespmem:s23+$0x820]  }
0xfc: {  	v11 =	vld [tilespmem:s25+$0x50]  }
0xfd: {  	v7 =	vmul.f32 v7, v1  }
0xfe: {  	s16 =	sadd.s32 s17, s8;
	v10 =	vmul.f32 v10, v9  }
0xff: {  	[tilespmem:s16+$0x0] =	vst v7;
	v6 =	vmul.f32 v6, v3  }
0x100: {  	v7 =	vld [tilespmem:s28+$0x810];
	[tilespmem:s21+$0x60] =	vst v10;
	v8 =	vmul.f32 v8, v2  }
0x101: {  	v10 =	vld [tilespmem:s6+$0xC70];
	v11 =	vmul.f32 v11, v4;
	[tilespmem:s13+$0x60] =	vst v6  }
0x102: {  	[tilespmem:s12+$0x20] =	vst v8;
	v6 =	vld [tilespmem:s24+$0x70]  }
0x103: {  	[tilespmem:s22+$0x50] =	vst v11;
	v8 =	vld [tilespmem:s23+$0x830]  }
0x104: {  	v11 =	vld [tilespmem:s25+$0x60]  }
0x105: {  	v7 =	vmul.f32 v7, v1  }
0x106: {  	v10 =	vmul.f32 v10, v9  }
0x107: {  	[tilespmem:s16+$0x10] =	vst v7;
	v6 =	vmul.f32 v6, v3  }
0x108: {  	v7 =	vld [tilespmem:s28+$0x820];
	[tilespmem:s21+$0x70] =	vst v10;
	v8 =	vmul.f32 v8, v2  }
0x109: {  	v10 =	vld [tilespmem:s6+$0x1000];
	v11 =	vmul.f32 v11, v4;
	[tilespmem:s13+$0x70] =	vst v6  }
0x10a: {  	v5 =	vmul.f32 v5, v0;
	[tilespmem:s12+$0x30] =	vst v8;
	v6 =	vld [tilespmem:s24+$0x400]  }
0x10b: {  	[tilespmem:s22+$0x60] =	vst v11;
	v8 =	vld [tilespmem:s23+$0x840]  }
0x10c: {  	[tilespmem:s1+$0x70] =	vst v5;
	v5 =	vld [tilespmem:s25+$0x70]  }
0x10d: {  	v7 =	vmul.f32 v7, v1  }
0x10e: {  	s14 =	sadd.s32 $0x2D00, s15;
	v11 =	vld [tilespmem:s26+$0xC00];
	v10 =	vmul.f32 v10, v9  }
0x10f: {  	s7 =	sadd.s32 s5, s14;
	[tilespmem:s16+$0x20] =	vst v7;
	v6 =	vmul.f32 v6, v3  }
0x110: {  	v7 =	vld [tilespmem:s28+$0x830];
	[tilespmem:s7+$0x0] =	vst v10;
	v8 =	vmul.f32 v8, v2  }
0x111: {  	v10 =	vld [tilespmem:s6+$0x1010];
	v5 =	vmul.f32 v5, v4;
	[tilespmem:s13+$0x400] =	vst v6  }
0x112: {  	[tilespmem:s12+$0x40] =	vst v8;
	v8 =	vld [tilespmem:s24+$0x410]  }
0x113: {  	s4 =	smov.u32 s9;
	v6 =	vmul.f32 v11, v0;
	[tilespmem:s22+$0x70] =	vst v5;
	v11 =	vld [tilespmem:s23+$0x850]  }
0x114: {  	s9 =	smov.u32 s3;
	s3 =	smov.u32 s17;
	s17 =	sadd.s32 s18, s19;
	v5 =	vld [tilespmem:s25+$0x400]  }
0x115: {  	v7 =	vmul.f32 v7, v1;
	[tilespmem:s17+$0x0] =	vst v6  }
0x116: {  	s11 =	sadd.s32 $0x2, s10;
	v6 =	vld [tilespmem:s26+$0xC10];
	v10 =	vmul.f32 v10, v9  }
0x117: {  	v12 =	vld [tilespmem:s11+$0x0];
	[tilespmem:s16+$0x30] =	vst v7;
	v7 =	vmul.f32 v8, v3  }
0x118: {  	[tilespmem:s7+$0x10] =	vst v10;
	v8 =	vld [tilespmem:s28+$0x840];
	v10 =	vmul.f32 v11, v2  }
0x119: {  	v11 =	vld [tilespmem:s6+$0x1020];
	v5 =	vmul.f32 v5, v4;
	[tilespmem:s13+$0x410] =	vst v7  }
0x11a: {  	[tilespmem:s12+$0x50] =	vst v10;
	v7 =	vld [tilespmem:s24+$0x420]  }
0x11b: {  	v6 =	vmul.f32 v6, v0;
	[tilespmem:s22+$0x400] =	vst v5;
	v10 =	vld [tilespmem:s23+$0x860]  }
0x11c: {  	(v2sf) =	vpush v12, $0x0;
	v5 =	vld [tilespmem:s25+$0x410]  }
0x11d: {  	[tilespmem:s17+$0x10] =	vst v6;
	v6 =	vld [tilespmem:s11+$0xFFFFFFFF];
	v8 =	vmul.f32 v8, v1  }
0x11e: {  	v12 =	vld [tilespmem:s26+$0xC20]  }
0x11f: {  	[tilespmem:s16+$0x40] =	vst v8;
	v7 =	vmul.f32 v7, v3  }
0x120: {  	v8 =	vmul.f32 v10, v2;
	v10 =	vld [tilespmem:s28+$0x850]  }
0x121: {  	v5 =	vmul.f32 v5, v4;
	[tilespmem:s13+$0x420] =	vst v7  }
0x122: {  	(v2sf) =	vpush v6, $0x0;
	v7 =	vmul.f32 v11, v9;
	[tilespmem:s12+$0x60] =	vst v8;
	v6 =	vld [tilespmem:s24+$0x430]  }
0x123: {  	v8 =	vmul.f32 v12, v0;
	[tilespmem:s22+$0x410] =	vst v5;
	v5 =	vld [tilespmem:s23+$0x870]  }
0x124: {  	[tilespmem:s7+$0x20] =	vst v7;
	v7 =	vld [tilespmem:s25+$0x420]  }
0x125: {  	[tilespmem:s17+$0x20] =	vst v8;
	v8 =	vld [tilespmem:s6+$0x1030];
	v10 =	vmul.f32 v10, v1;
	_ =	sdelay $0x1  }
0x126: {  	v11 =	vld [tilespmem:s26+$0xC30];
	[tilespmem:s16+$0x50] =	vst v10;
	v6 =	vmul.f32 v6, v3  }
0x127: {  	v5 =	vmul.f32 v5, v2;
	v10 =	vld [tilespmem:s28+$0x860]  }
0x128: {  	v7 =	vmul.f32 v7, v4;
	[tilespmem:s13+$0x430] =	vst v6  }
0x129: {  	v6 =	vmul.f32 v8, v9;
	[tilespmem:s12+$0x70] =	vst v5;
	v8 =	vld [tilespmem:s24+$0x440]  }
0x12a: {  	s18 =	spop (v2sf);
	[tilespmem:s22+$0x420] =	vst v7;
	v7 =	vld [tilespmem:s23+$0xC00]  }
0x12b: {  	s19 =	sshrl.u32 s18, $0x3;
	v5 =	vmul.f32 v11, v0;
	[tilespmem:s7+$0x30] =	vst v6;
	v6 =	vld [tilespmem:s25+$0x430]  }
0x12c: {  	s1 =	smul.u32 $0x6000, s19;
	v11 =	vld [tilespmem:s6+$0x1040];
	v10 =	vmul.f32 v10, v1  }
0x12d: {  	s10 =	sadd.s32 $0x2, s2;
	s0 =	sshll.u32 s18, $0x7;
	s18 =	sadd.s32 $0x2900, s4;
	[tilespmem:s17+$0x30] =	vst v5  }
0x12e: {  	s0 =	sand.u32 $0x380, s0;
	s1 =	sshra.s32 s1, $0x2;
	s21 =	rddreg [dreg:$0x5];
	v5 =	vld.msk [tilespmem:s10+$0x0 ss:$0x0], $0xffff;
	[tilespmem:s16+$0x60] =	vst v10;
	v8 =	vmul.f32 v8, v3  }
0x12f: {  	s30 =	sor.u32 s0, s1;
	s1 =	sadd.s32 $0x6, s21;
	v12 =	vld [tilespmem:s26+$0xC40];
	[dreg:$0x19] =	wrdreg s4;
	v7 =	vmul.f32 v7, v2  }
0x130: {  	s19 =	sadd.s32 s9, s18;
	s0 =	sshrl.u32 s1, $0x3;
	v10 =	vld [tilespmem:s30+$0x0];
	v6 =	vmul.f32 v6, v4;
	[tilespmem:s13+$0x440] =	vst v8  }
0x131: {  	s0 =	smul.u32 $0x6000, s0;
	s2 =	spop (v2sf);
	v13 =	vld [tilespmem:s28+$0x870];
	v8 =	vmul.f32 v11, v9;
	[tilespmem:s19+$0x0] =	vst v7  }
0x132: {  	s8 =	sshrl.u32 s2, $0x3;
	v7 =	vld [tilespmem:s24+$0x450];
	[tilespmem:s22+$0x430] =	vst v6  }
0x133: {  	s0 =	sshra.s32 s0, $0x2;
	s1 =	sshll.u32 s2, $0x7;
	s2 =	smul.u32 $0x6000, s8;
	v11 =	vld [tilespmem:s23+$0xC10];
	[tilespmem:s7+$0x40] =	vst v8  }
0x134: {  	s21 =	simm.s32 $0x380;
	v8 =	vld [tilespmem:s25+$0x440];
	[dreg:$0x17] =	wrdreg s0  }
0x135: {  	s21 =	sand.u32 $0x380, s21;
	s12 =	sand.u32 $0x380, s1;
	v12 =	vmul.f32 v12, v0;
	s2 =	sshra.s32 s2, $0x2;
	v14 =	vld [tilespmem:s6+$0x1050]  }
0x136: {  	s1 =	smov.u32 s20;
	s20 =	sadd.s32 $0x1D00, s0;
	s12 =	sor.u32 s12, s2;
	v10 =	vmul.f32 v5, v10;
	v6 =	vld.msk [tilespmem:s10+$0xFFFFFFFF ss:$0x0], $0xffff  }
0x137: {  	s8 =	sadd.s32 s21, s20;
	v15 =	vld [tilespmem:s12+$0x0];
	[tilespmem:s17+$0x40] =	vst v12;
	v7 =	vmul.f32 v7, v3  }
0x138: {  	v12 =	vld [tilespmem:s26+$0xC50];
	[tilespmem:s8+$0x0] =	vst v10;
	v10 =	vmul.f32 v11, v2  }
0x139: {  	v11 =	vld [tilespmem:s30+$0x10];
	v8 =	vmul.f32 v8, v4;
	[tilespmem:s13+$0x450] =	vst v7  }
0x13a: {  	v7 =	vmul.f32 v13, v1;
	[tilespmem:s19+$0x10] =	vst v10;
	v10 =	vld [tilespmem:s24+$0x460]  }
0x13b: {  	s0 =	simm.s32 $0x300;
	v13 =	vmul.f32 v14, v9;
	[tilespmem:s22+$0x440] =	vst v8;
	v8 =	vld [tilespmem:s23+$0xC20]  }
0x13c: {  	s31 =	sand.u32 $0x300, s0;
	v14 =	vmul.f32 v6, v15;
	[tilespmem:s16+$0x70] =	vst v7  }
0x13d: {  	v7 =	vld [tilespmem:s25+$0x450];
	s16 =	sadd.s32 s31, s20;
	v12 =	vmul.f32 v12, v0;
	[tilespmem:s7+$0x50] =	vst v13  }
0x13e: {  	v15 =	vld [tilespmem:s28+$0xC00];
	[tilespmem:s16+$0x0] =	vst v14;
	v11 =	vmul.f32 v11, v5  }
0x13f: {  	v13 =	vld [tilespmem:s6+$0x1060];
	[tilespmem:s17+$0x50] =	vst v12;
	v10 =	vmul.f32 v10, v3  }
0x140: {  	v14 =	vld [tilespmem:s12+$0x10];
	[tilespmem:s8+$0x10] =	vst v11;
	v8 =	vmul.f32 v8, v2  }
0x141: {  	v11 =	vld [tilespmem:s30+$0x20];
	[tilespmem:s13+$0x460] =	vst v10  }
0x142: {  	s0 =	smov.u32 s3;
	v12 =	vld [tilespmem:s26+$0xC60];
	v7 =	vmul.f32 v7, v4;
	[tilespmem:s19+$0x20] =	vst v8  }
0x143: {  	v10 =	vmul.f32 v15, v1;
	v8 =	vld [tilespmem:s24+$0x470];
	[dreg:$0x18] =	wrdreg s0  }
0x144: {  	s20 =	sadd.s32 s3, s18;
	v13 =	vmul.f32 v13, v9;
	[tilespmem:s22+$0x450] =	vst v7;
	v7 =	vld [tilespmem:s23+$0xC30]  }
0x145: {  	v14 =	vmul.f32 v14, v6;
	[tilespmem:s20+$0x0] =	vst v10;
	v10 =	vld [tilespmem:s25+$0x460]  }
0x146: {  	v15 =	vld [tilespmem:s28+$0xC10];
	[tilespmem:s7+$0x60] =	vst v13;
	v11 =	vmul.f32 v11, v5  }
0x147: {  	v12 =	vmul.f32 v12, v0;
	[tilespmem:s16+$0x10] =	vst v14;
	v13 =	vld [tilespmem:s6+$0x1070]  }
0x148: {  	v14 =	vld [tilespmem:s12+$0x20];
	[tilespmem:s8+$0x20] =	vst v11;
	v8 =	vmul.f32 v8, v3  }
0x149: {  	[tilespmem:s17+$0x60] =	vst v12;
	v7 =	vmul.f32 v7, v2;
	v11 =	vld [tilespmem:s30+$0x30]  }
0x14a: {  	[tilespmem:s13+$0x470] =	vst v8;
	v10 =	vmul.f32 v10, v4  }
0x14b: {  	v8 =	vld [tilespmem:s26+$0xC70];
	v12 =	vmul.f32 v15, v1;
	[tilespmem:s19+$0x30] =	vst v7  }
0x14c: {  	v7 =	vld [tilespmem:s24+$0x800];
	v13 =	vmul.f32 v13, v9;
	[tilespmem:s22+$0x460] =	vst v10  }
0x14d: {  	v14 =	vmul.f32 v14, v6;
	v10 =	vld [tilespmem:s23+$0xC40];
	[tilespmem:s20+$0x10] =	vst v12  }
0x14e: {  	v12 =	vld [tilespmem:s25+$0x470];
	[tilespmem:s7+$0x70] =	vst v13;
	v11 =	vmul.f32 v11, v5  }
0x14f: {  	v13 =	vld [tilespmem:s28+$0xC20];
	[tilespmem:s16+$0x20] =	vst v14  }
0x150: {  	v14 =	vld [tilespmem:s12+$0x30];
	v8 =	vmul.f32 v8, v0;
	[tilespmem:s8+$0x30] =	vst v11  }
0x151: {  	v15 =	vld [tilespmem:s6+$0x1400];
	[dreg:$0x6] =	wrdreg s29  }
0x152: {  	[tilespmem:s17+$0x70] =	vst v8;
	v8 =	vmul.f32 v10, v2  }
0x153: {  	s2 =	smov.u32 s21;
	s21 =	sadd.s32 $0x2500, s29;
	v7 =	vmul.f32 v7, v3;
	s17 =	rddreg [dreg:$0xb]  }
0x154: {  	v10 =	vld [tilespmem:s30+$0x40];
	v12 =	vmul.f32 v12, v4;
	s13 =	sadd.s32 s17, s21;
	[tilespmem:s19+$0x40] =	vst v8  }
0x155: {  	v11 =	vld [tilespmem:s26+$0x1000];
	v14 =	vmul.f32 v14, v6;
	[tilespmem:s13+$0x0] =	vst v7  }
0x156: {  	[tilespmem:s22+$0x470] =	vst v12;
	v7 =	vmul.f32 v13, v1;
	v8 =	vld [tilespmem:s24+$0x810]  }
0x157: {  	s18 =	sadd.s32 $0x3100, s15;
	v12 =	vmul.f32 v15, v9;
	v13 =	vld [tilespmem:s23+$0xC50];
	[tilespmem:s16+$0x30] =	vst v14  }
0x158: {  	s3 =	sadd.s32 s5, s18;
	[tilespmem:s20+$0x20] =	vst v7;
	v7 =	vld [tilespmem:s25+$0x800]  }
0x159: {  	[tilespmem:s3+$0x0] =	vst v12;
	v10 =	vmul.f32 v10, v5;
	v15 =	vld [tilespmem:s28+$0xC30]  }
0x15a: {  	v12 =	vld [tilespmem:s6+$0x1410];
	v11 =	vmul.f32 v11, v0;
	s15 =	rddreg [dreg:$0x1a]  }
0x15b: {  	v14 =	vld [tilespmem:s12+$0x40];
	s5 =	sadd.s32 s15, s14;
	[tilespmem:s8+$0x40] =	vst v10;
	v8 =	vmul.f32 v8, v3  }
0x15c: {  	[tilespmem:s5+$0x0] =	vst v11;
	v10 =	vmul.f32 v13, v2;
	v11 =	vld [tilespmem:s30+$0x50]  }
0x15d: {  	v13 =	vld [tilespmem:s26+$0x1010];
	v7 =	vmul.f32 v7, v4;
	[tilespmem:s13+$0x10] =	vst v8  }
0x15e: {  	s7 =	sadd.s32 s1, s21;
	[tilespmem:s19+$0x50] =	vst v10;
	v8 =	vmul.f32 v15, v1;
	v10 =	vld [tilespmem:s24+$0x820]  }
0x15f: {  	v12 =	vmul.f32 v12, v9;
	[tilespmem:s7+$0x0] =	vst v7;
	v7 =	vld [tilespmem:s23+$0xC60]  }
0x160: {  	v14 =	vmul.f32 v14, v6;
	[tilespmem:s20+$0x30] =	vst v8;
	v8 =	vld [tilespmem:s25+$0x810]  }
0x161: {  	[tilespmem:s3+$0x10] =	vst v12;
	v11 =	vmul.f32 v11, v5;
	v15 =	vld [tilespmem:s28+$0xC40]  }
0x162: {  	[tilespmem:s16+$0x40] =	vst v14;
	v12 =	vmul.f32 v13, v0;
	v13 =	vld [tilespmem:s6+$0x1420]  }
0x163: {  	v14 =	vld [tilespmem:s12+$0x50];
	[tilespmem:s8+$0x50] =	vst v11;
	v10 =	vmul.f32 v10, v3  }
0x164: {  	[tilespmem:s5+$0x10] =	vst v12;
	v11 =	vld [tilespmem:s30+$0x60];
	v7 =	vmul.f32 v7, v2  }
0x165: {  	v12 =	vld [tilespmem:s26+$0x1020];
	v8 =	vmul.f32 v8, v4;
	[tilespmem:s13+$0x20] =	vst v10  }
0x166: {  	v10 =	vmul.f32 v15, v1;
	[tilespmem:s19+$0x60] =	vst v7;
	v7 =	vld [tilespmem:s24+$0x830]  }
0x167: {  	v13 =	vmul.f32 v13, v9;
	[tilespmem:s7+$0x10] =	vst v8;
	v8 =	vld [tilespmem:s23+$0xC70]  }
0x168: {  	v14 =	vmul.f32 v14, v6;
	[tilespmem:s20+$0x40] =	vst v10;
	v10 =	vld [tilespmem:s25+$0x820]  }
0x169: {  	[tilespmem:s3+$0x20] =	vst v13;
	v11 =	vmul.f32 v11, v5;
	v15 =	vld [tilespmem:s28+$0xC50]  }
0x16a: {  	[tilespmem:s16+$0x50] =	vst v14;
	v12 =	vmul.f32 v12, v0;
	v13 =	vld [tilespmem:s6+$0x1430]  }
0x16b: {  	v14 =	vld [tilespmem:s12+$0x60];
	[tilespmem:s8+$0x60] =	vst v11;
	v7 =	vmul.f32 v7, v3  }
0x16c: {  	[tilespmem:s5+$0x20] =	vst v12;
	v11 =	vld [tilespmem:s30+$0x70];
	v8 =	vmul.f32 v8, v2  }
0x16d: {  	v12 =	vld [tilespmem:s26+$0x1030];
	v10 =	vmul.f32 v10, v4;
	[tilespmem:s13+$0x30] =	vst v7  }
0x16e: {  	[tilespmem:s19+$0x70] =	vst v8;
	v7 =	vmul.f32 v15, v1;
	v8 =	vld [tilespmem:s24+$0x840]  }
0x16f: {  	v13 =	vmul.f32 v13, v9;
	[tilespmem:s7+$0x20] =	vst v10;
	v10 =	vld [tilespmem:s23+$0x1000]  }
0x170: {  	v14 =	vmul.f32 v14, v6;
	[tilespmem:s20+$0x50] =	vst v7;
	v7 =	vld [tilespmem:s25+$0x830]  }
0x171: {  	[tilespmem:s3+$0x30] =	vst v13;
	v11 =	vmul.f32 v11, v5;
	v15 =	vld [tilespmem:s28+$0xC60]  }
0x172: {  	[tilespmem:s16+$0x60] =	vst v14;
	v12 =	vmul.f32 v12, v0;
	v13 =	vld [tilespmem:s6+$0x1440]  }
0x173: {  	v14 =	vld [tilespmem:s12+$0x70];
	[tilespmem:s8+$0x70] =	vst v11;
	v8 =	vmul.f32 v8, v3  }
0x174: {  	s4 =	sadd.s32 $0x2D00, s4;
	[tilespmem:s5+$0x30] =	vst v12;
	v11 =	vld [tilespmem:s30+$0x400];
	v10 =	vmul.f32 v10, v2  }
0x175: {  	s19 =	sadd.s32 s9, s4;
	v12 =	vld [tilespmem:s26+$0x1040];
	v7 =	vmul.f32 v7, v4;
	[tilespmem:s13+$0x40] =	vst v8  }
0x176: {  	v8 =	vmul.f32 v15, v1;
	[tilespmem:s19+$0x0] =	vst v10;
	v10 =	vld [tilespmem:s24+$0x850]  }
0x177: {  	v13 =	vmul.f32 v13, v9;
	[tilespmem:s7+$0x30] =	vst v7;
	v7 =	vld [tilespmem:s23+$0x1010]  }
0x178: {  	v14 =	vmul.f32 v14, v6;
	[tilespmem:s20+$0x60] =	vst v8;
	v8 =	vld [tilespmem:s25+$0x840]  }
0x179: {  	[tilespmem:s3+$0x40] =	vst v13;
	v11 =	vmul.f32 v11, v5;
	v15 =	vld [tilespmem:s28+$0xC70]  }
0x17a: {  	[tilespmem:s16+$0x70] =	vst v14;
	v12 =	vmul.f32 v12, v0;
	v13 =	vld [tilespmem:s6+$0x1450]  }
0x17b: {  	v14 =	vld [tilespmem:s12+$0x400];
	[tilespmem:s8+$0x400] =	vst v11;
	v10 =	vmul.f32 v10, v3  }
0x17c: {  	[tilespmem:s5+$0x40] =	vst v12;
	v11 =	vld [tilespmem:s30+$0x410];
	v7 =	vmul.f32 v7, v2  }
0x17d: {  	v12 =	vld [tilespmem:s26+$0x1050];
	v8 =	vmul.f32 v8, v4;
	[tilespmem:s13+$0x50] =	vst v10  }
0x17e: {  	v10 =	vmul.f32 v15, v1;
	[tilespmem:s19+$0x10] =	vst v7;
	v7 =	vld [tilespmem:s24+$0x860]  }
0x17f: {  	v13 =	vmul.f32 v13, v9;
	[tilespmem:s7+$0x40] =	vst v8;
	v8 =	vld [tilespmem:s23+$0x1020]  }
0x180: {  	[tilespmem:s20+$0x70] =	vst v10;
	v10 =	vmul.f32 v14, v6;
	v14 =	vld [tilespmem:s25+$0x850]  }
0x181: {  	[tilespmem:s3+$0x50] =	vst v13;
	v11 =	vmul.f32 v11, v5;
	v15 =	vld [tilespmem:s28+$0x1000]  }
0x182: {  	v13 =	vld [tilespmem:s6+$0x1460];
	[tilespmem:s16+$0x400] =	vst v10  }
0x183: {  	[tilespmem:s8+$0x410] =	vst v11;
	v10 =	vld [tilespmem:s12+$0x410];
	v7 =	vmul.f32 v7, v3  }
0x184: {  	s20 =	sadd.s32 $0x2, s11;
	v11 =	vld [tilespmem:s30+$0x420];
	v8 =	vmul.f32 v8, v2  }
0x185: {  	v16 =	vld [tilespmem:s20+$0x0];
	[tilespmem:s13+$0x60] =	vst v7;
	v7 =	vmul.f32 v14, v4  }
0x186: {  	v14 =	vmul.f32 v15, v1;
	[tilespmem:s19+$0x20] =	vst v8;
	v8 =	vld [tilespmem:s24+$0x870]  }
0x187: {  	s21 =	sadd.s32 s0, s4;
	v15 =	vld [tilespmem:s23+$0x1030];
	[tilespmem:s7+$0x50] =	vst v7  }
0x188: {  	[tilespmem:s21+$0x0] =	vst v14;
	v7 =	vmul.f32 v10, v6;
	v10 =	vld [tilespmem:s25+$0x860]  }
0x189: {  	v11 =	vmul.f32 v11, v5;
	v14 =	vld [tilespmem:s28+$0x1010]  }
0x18a: {  	v12 =	vmul.f32 v12, v0;
	(v2sf) =	vpush v16, $0x0;
	v16 =	vld [tilespmem:s20+$0xFFFFFFFF];
	[tilespmem:s16+$0x410] =	vst v7  }
0x18b: {  	[tilespmem:s8+$0x420] =	vst v11;
	v7 =	vld [tilespmem:s12+$0x420];
	v8 =	vmul.f32 v8, v3  }
0x18c: {  	[tilespmem:s5+$0x50] =	vst v12;
	v12 =	vld [tilespmem:s30+$0x430];
	v11 =	vmul.f32 v15, v2  }
0x18d: {  	[tilespmem:s13+$0x70] =	vst v8;
	v8 =	vld [tilespmem:s26+$0x1060];
	v10 =	vmul.f32 v10, v4  }
0x18e: {  	v14 =	vmul.f32 v14, v1;
	[tilespmem:s19+$0x30] =	vst v11;
	v11 =	vld [tilespmem:s24+$0xC00]  }
0x18f: {  	v13 =	vmul.f32 v13, v9;
	v15 =	vld [tilespmem:s23+$0x1040];
	[tilespmem:s7+$0x60] =	vst v10  }
0x190: {  	[tilespmem:s21+$0x10] =	vst v14;
	v7 =	vmul.f32 v7, v6;
	v10 =	vld [tilespmem:s25+$0x870]  }
0x191: {  	[tilespmem:s3+$0x60] =	vst v13;
	v12 =	vmul.f32 v12, v5;
	v13 =	vld [tilespmem:s28+$0x1020]  }
0x192: {  	(v2sf) =	vpush v16, $0x0;
	[tilespmem:s16+$0x420] =	vst v7;
	v8 =	vmul.f32 v8, v0  }
0x193: {  	s13 =	sadd.s32 $0x2900, s29;
	[tilespmem:s8+$0x430] =	vst v12;
	v7 =	vld [tilespmem:s12+$0x430];
	v11 =	vmul.f32 v11, v3  }
0x194: {  	s29 =	sadd.s32 s17, s13;
	v12 =	vld [tilespmem:s30+$0x440];
	[tilespmem:s5+$0x60] =	vst v8;
	v8 =	vmul.f32 v15, v2  }
0x195: {  	v14 =	vld [tilespmem:s6+$0x1470];
	v10 =	vmul.f32 v10, v4;
	[tilespmem:s29+$0x0] =	vst v11  }
0x196: {  	v15 =	vld [tilespmem:s26+$0x1070];
	v11 =	vmul.f32 v13, v1;
	[tilespmem:s19+$0x40] =	vst v8  }
0x197: {  	v8 =	vld [tilespmem:s24+$0xC10];
	[tilespmem:s7+$0x70] =	vst v10  }
0x198: {  	v10 =	vld [tilespmem:s23+$0x1050];
	[tilespmem:s21+$0x20] =	vst v11;
	v11 =	vmul.f32 v7, v6  }
0x199: {  	s10 =	sadd.s32 $0x2, s10;
	v12 =	vmul.f32 v12, v5;
	v13 =	vld [tilespmem:s25+$0xC00]  }
0x19a: {  	s14 =	spop (v2sf);
	v7 =	vld.msk [tilespmem:s10+$0xFFFFFFFF ss:$0x0], $0xffff;
	[tilespmem:s16+$0x430] =	vst v11  }
0x19b: {  	s4 =	smov.u32 s17;
	s17 =	sshrl.u32 s14, $0x3;
	v16 =	vld [tilespmem:s28+$0x1030];
	[tilespmem:s8+$0x440] =	vst v12;
	v12 =	vmul.f32 v15, v0  }
0x19c: {  	s11 =	smul.u32 $0x6000, s17;
	v11 =	vld [tilespmem:s12+$0x440];
	v8 =	vmul.f32 v8, v3  }
0x19d: {  	s7 =	sshll.u32 s14, $0x7;
	v15 =	vld [tilespmem:s30+$0x450];
	[tilespmem:s5+$0x70] =	vst v12;
	v10 =	vmul.f32 v10, v2  }
0x19e: {  	s7 =	sand.u32 $0x380, s7;
	s11 =	sshra.s32 s11, $0x2;
	[tilespmem:s29+$0x10] =	vst v8;
	v8 =	vld.msk [tilespmem:s10+$0x0 ss:$0x0], $0xffff;
	v13 =	vmul.f32 v13, v4  }
0x19f: {  	s22 =	rddreg [dreg:$0x5];
	v9 =	vmul.f32 v14, v9;
	s14 =	sor.u32 s7, s11;
	s7 =	sadd.s32 s1, s13;
	v12 =	vld [tilespmem:s24+$0xC20];
	[tilespmem:s19+$0x50] =	vst v10  }
0x1a0: {  	s17 =	sadd.s32 $0x8, s22;
	v16 =	vmul.f32 v16, v1;
	[tilespmem:s7+$0x0] =	vst v13;
	v13 =	vld [tilespmem:s14+$0x0]  }
0x1a1: {  	[tilespmem:s3+$0x70] =	vst v9;
	s6 =	sshrl.u32 s17, $0x3;
	s0 =	spop (v2sf);
	v11 =	vmul.f32 v11, v6;
	v14 =	vld [tilespmem:s23+$0x1060]  }
0x1a2: {  	s6 =	smul.u32 $0x6000, s6;
	s22 =	sshrl.u32 s0, $0x3;
	[tilespmem:s21+$0x30] =	vst v16;
	v10 =	vmul.f32 v15, v5;
	v16 =	vld [tilespmem:s25+$0xC10]  }
0x1a3: {  	s11 =	smul.u32 $0x6000, s22;
	s5 =	sshll.u32 s0, $0x7;
	v15 =	vld [tilespmem:s28+$0x1040];
	[tilespmem:s16+$0x440] =	vst v11  }
0x1a4: {  	s6 =	sshra.s32 s6, $0x2;
	s0 =	sand.u32 $0x380, s5;
	[tilespmem:s8+$0x450] =	vst v10;
	v11 =	vld [tilespmem:s12+$0x450];
	v10 =	vmul.f32 v12, v3  }
0x1a5: {  	s11 =	sshra.s32 s11, $0x2;
	s5 =	simm.s32 $0x480;
	v12 =	vld [tilespmem:s30+$0x460];
	[dreg:$0x9] =	wrdreg s6  }
0x1a6: {  	s13 =	sor.u32 s0, s11;
	s11 =	sadd.s32 $0x1D00, s6;
	s17 =	sand.u32 $0x380, s5;
	v9 =	vmul.f32 v8, v13;
	[tilespmem:s29+$0x20] =	vst v10  }
0x1a7: {  	s3 =	sadd.s32 s17, s11;
	v13 =	vld [tilespmem:s13+$0x0];
	v16 =	vmul.f32 v16, v4;
	[dreg:$0x8] =	wrdreg s17  }
0x1a8: {  	v10 =	vmul.f32 v15, v1;
	[tilespmem:s3+$0x0] =	vst v9  }
0x1a9: {  	v14 =	vmul.f32 v14, v2;
	v9 =	vld [tilespmem:s24+$0xC30];
	[tilespmem:s7+$0x10] =	vst v16  }
0x1aa: {  	v11 =	vmul.f32 v11, v6;
	[tilespmem:s21+$0x40] =	vst v10;
	v15 =	vld [tilespmem:s14+$0x10]  }
0x1ab: {  	s22 =	simm.s32 $0x400;
	[tilespmem:s19+$0x60] =	vst v14;
	v16 =	vld [tilespmem:s25+$0xC20]  }
0x1ac: {  	s0 =	sand.u32 $0x300, s22;
	v10 =	vmul.f32 v12, v5;
	v12 =	vld [tilespmem:s28+$0x1050];
	[tilespmem:s16+$0x450] =	vst v11  }
0x1ad: {  	v14 =	vld [tilespmem:s23+$0x1070];
	v13 =	vmul.f32 v7, v13;
	[dreg:$0xa] =	wrdreg s0  }
0x1ae: {  	s17 =	sadd.s32 s0, s11;
	v11 =	vld [tilespmem:s12+$0x460];
	[tilespmem:s8+$0x460] =	vst v10;
	v9 =	vmul.f32 v9, v3  }
0x1af: {  	[tilespmem:s17+$0x0] =	vst v13;
	v13 =	vld [tilespmem:s30+$0x470];
	v10 =	vmul.f32 v15, v8  }
0x1b0: {  	v15 =	vld [tilespmem:s13+$0x10];
	v16 =	vmul.f32 v16, v4;
	[tilespmem:s29+$0x30] =	vst v9  }
0x1b1: {  	[tilespmem:s3+$0x10] =	vst v10;
	v9 =	vld [tilespmem:s24+$0xC40];
	v10 =	vmul.f32 v12, v1  }
0x1b2: {  	v14 =	vmul.f32 v14, v2;
	[tilespmem:s7+$0x20] =	vst v16;
	v12 =	vld [tilespmem:s14+$0x20]  }
0x1b3: {  	v11 =	vmul.f32 v11, v6;
	v16 =	vld [tilespmem:s25+$0xC30];
	[tilespmem:s21+$0x50] =	vst v10  }
0x1b4: {  	[tilespmem:s19+$0x70] =	vst v14;
	v10 =	vmul.f32 v13, v5;
	v13 =	vld [tilespmem:s28+$0x1060]  }
0x1b5: {  	v14 =	vld [tilespmem:s26+$0x1400];
	v15 =	vmul.f32 v15, v7;
	[tilespmem:s16+$0x460] =	vst v11  }
0x1b6: {  	[tilespmem:s8+$0x470] =	vst v10;
	v10 =	vld [tilespmem:s12+$0x470];
	v9 =	vmul.f32 v9, v3  }
0x1b7: {  	[tilespmem:s17+$0x10] =	vst v15;
	v11 =	vmul.f32 v12, v8;
	v12 =	vld [tilespmem:s23+$0x1400]  }
0x1b8: {  	v15 =	vld [tilespmem:s13+$0x20];
	v16 =	vmul.f32 v16, v4;
	[tilespmem:s29+$0x40] =	vst v9  }
0x1b9: {  	[tilespmem:s3+$0x20] =	vst v11;
	v11 =	vmul.f32 v13, v1  }
0x1ba: {  	v9 =	vld [tilespmem:s24+$0xC50];
	v13 =	vmul.f32 v14, v0;
	[tilespmem:s7+$0x30] =	vst v16  }
0x1bb: {  	s22 =	sadd.s32 s15, s18;
	v14 =	vld [tilespmem:s14+$0x30];
	[tilespmem:s21+$0x60] =	vst v11  }
0x1bc: {  	v10 =	vmul.f32 v10, v6;
	v16 =	vld [tilespmem:s25+$0xC40];
	[tilespmem:s22+$0x0] =	vst v13  }
0x1bd: {  	s19 =	rddreg [dreg:$0x19];
	v11 =	vmul.f32 v12, v2;
	v12 =	vld [tilespmem:s28+$0x1070];
	v13 =	vmul.f32 v15, v7  }
0x1be: {  	[tilespmem:s16+$0x470] =	vst v10;
	v10 =	vld [tilespmem:s26+$0x1410];
	s8 =	sadd.s32 $0x3100, s19  }
0x1bf: {  	v15 =	vld [tilespmem:s30+$0x800];
	s15 =	sadd.s32 s9, s8;
	v9 =	vmul.f32 v9, v3;
	[tilespmem:s17+$0x20] =	vst v13  }
0x1c0: {  	[tilespmem:s15+$0x0] =	vst v11;
	v11 =	vmul.f32 v14, v8;
	v14 =	vld [tilespmem:s13+$0x30]  }
0x1c1: {  	v16 =	vmul.f32 v16, v4;
	[tilespmem:s29+$0x50] =	vst v9  }
0x1c2: {  	v13 =	vld [tilespmem:s23+$0x1410];
	[tilespmem:s3+$0x30] =	vst v11;
	v11 =	vmul.f32 v12, v1  }
0x1c3: {  	v9 =	vld [tilespmem:s24+$0xC60];
	[tilespmem:s7+$0x40] =	vst v16  }
0x1c4: {  	v10 =	vmul.f32 v10, v0;
	v12 =	vld [tilespmem:s14+$0x40];
	[tilespmem:s21+$0x70] =	vst v11  }
0x1c5: {  	v11 =	vmul.f32 v15, v5;
	v15 =	vld [tilespmem:s25+$0xC50];
	s21 =	rddreg [dreg:$0x17];
	v14 =	vmul.f32 v14, v7  }
0x1c6: {  	[tilespmem:s22+$0x10] =	vst v10;
	v10 =	vld [tilespmem:s12+$0x800];
	s0 =	sadd.s32 $0x2500, s21  }
0x1c7: {  	v13 =	vmul.f32 v13, v2;
	v16 =	vld [tilespmem:s26+$0x1420];
	s19 =	sadd.s32 s2, s0;
	[tilespmem:s17+$0x30] =	vst v14  }
0x1c8: {  	v9 =	vmul.f32 v9, v3;
	[tilespmem:s19+$0x0] =	vst v11  }
0x1c9: {  	[tilespmem:s15+$0x10] =	vst v13;
	v12 =	vmul.f32 v12, v8;
	v11 =	vld [tilespmem:s30+$0x810]  }
0x1ca: {  	v13 =	vld [tilespmem:s23+$0x1420];
	v15 =	vmul.f32 v15, v4;
	[tilespmem:s29+$0x60] =	vst v9  }
0x1cb: {  	v14 =	vld [tilespmem:s13+$0x40];
	[tilespmem:s3+$0x40] =	vst v12;
	v9 =	vmul.f32 v10, v6  }
0x1cc: {  	s18 =	sadd.s32 s31, s0;
	v10 =	vld [tilespmem:s24+$0xC70];
	v12 =	vmul.f32 v16, v0;
	[tilespmem:s7+$0x50] =	vst v15  }
0x1cd: {  	v16 =	vld [tilespmem:s14+$0x50];
	[tilespmem:s18+$0x0] =	vst v9  }
0x1ce: {  	[tilespmem:s22+$0x20] =	vst v12;
	v12 =	vld [tilespmem:s12+$0x810];
	v9 =	vmul.f32 v11, v5  }
0x1cf: {  	v11 =	vld [tilespmem:s25+$0xC60];
	v13 =	vmul.f32 v13, v2  }
0x1d0: {  	v14 =	vmul.f32 v14, v7;
	v15 =	vld [tilespmem:s26+$0x1430];
	[tilespmem:s19+$0x10] =	vst v9  }
0x1d1: {  	v10 =	vmul.f32 v10, v3;
	[tilespmem:s15+$0x20] =	vst v13;
	v9 =	vld [tilespmem:s30+$0x820]  }
0x1d2: {  	[tilespmem:s17+$0x40] =	vst v14;
	v13 =	vmul.f32 v16, v8;
	v14 =	vld [tilespmem:s23+$0x1430]  }
0x1d3: {  	[tilespmem:s29+$0x70] =	vst v10;
	v12 =	vmul.f32 v12, v6  }
0x1d4: {  	s6 =	smov.u32 s28;
	v10 =	vld [tilespmem:s13+$0x50];
	[tilespmem:s3+$0x50] =	vst v13;
	v11 =	vmul.f32 v11, v4  }
0x1d5: {  	v13 =	vld [tilespmem:s6+$0x1400];
	v15 =	vmul.f32 v15, v0;
	[tilespmem:s18+$0x10] =	vst v12  }
0x1d6: {  	v16 =	vld [tilespmem:s14+$0x60];
	[tilespmem:s7+$0x60] =	vst v11;
	v9 =	vmul.f32 v9, v5  }
0x1d7: {  	[tilespmem:s22+$0x30] =	vst v15;
	v11 =	vld [tilespmem:s25+$0xC70];
	v14 =	vmul.f32 v14, v2  }
0x1d8: {  	v12 =	vld [tilespmem:s12+$0x820];
	[tilespmem:s19+$0x20] =	vst v9  }
0x1d9: {  	v15 =	vld [tilespmem:s26+$0x1440];
	v10 =	vmul.f32 v10, v7;
	[tilespmem:s15+$0x30] =	vst v14  }
0x1da: {  	v13 =	vmul.f32 v13, v1;
	v9 =	vld [tilespmem:s30+$0x830];
	s9 =	rddreg [dreg:$0x18]  }
0x1db: {  	[tilespmem:s17+$0x50] =	vst v10;
	v10 =	vmul.f32 v16, v8;
	v14 =	vld [tilespmem:s23+$0x1440];
	s9 =	sadd.s32 s9, s8  }
0x1dc: {  	v16 =	vld [tilespmem:s13+$0x60];
	[tilespmem:s9+$0x0] =	vst v13;
	v11 =	vmul.f32 v11, v4  }
0x1dd: {  	[tilespmem:s3+$0x60] =	vst v10;
	v10 =	vmul.f32 v12, v6;
	v12 =	vld [tilespmem:s6+$0x1410]  }
0x1de: {  	[tilespmem:s7+$0x70] =	vst v11;
	v11 =	vmul.f32 v15, v0  }
0x1df: {  	v13 =	vld [tilespmem:s14+$0x70];
	[tilespmem:s18+$0x20] =	vst v10;
	v9 =	vmul.f32 v9, v5  }
0x1e0: {  	v14 =	vmul.f32 v14, v2;
	[tilespmem:s22+$0x40] =	vst v11;
	v11 =	vld [tilespmem:s12+$0x830]  }
0x1e1: {  	v10 =	vld [tilespmem:s24+$0x1000];
	v16 =	vmul.f32 v16, v7;
	[tilespmem:s19+$0x30] =	vst v9  }
0x1e2: {  	[tilespmem:s15+$0x40] =	vst v14;
	v12 =	vmul.f32 v12, v1  }
0x1e3: {  	v15 =	vld [tilespmem:s26+$0x1450];
	[tilespmem:s17+$0x60] =	vst v16  }
0x1e4: {  	v9 =	vld [tilespmem:s30+$0x840];
	v13 =	vmul.f32 v13, v8;
	[tilespmem:s9+$0x10] =	vst v12  }
0x1e5: {  	v14 =	vld [tilespmem:s23+$0x1450];
	s16 =	rddreg [dreg:$0x6];
	v11 =	vmul.f32 v11, v6  }
0x1e6: {  	s28 =	smov.u32 s21;
	v16 =	vld [tilespmem:s13+$0x70];
	v10 =	vmul.f32 v10, v3;
	[tilespmem:s3+$0x70] =	vst v13;
	s21 =	sadd.s32 $0x2D00, s16  }
0x1e7: {  	v12 =	vld [tilespmem:s6+$0x1420];
	s8 =	sadd.s32 s4, s21;
	[tilespmem:s18+$0x30] =	vst v11  }
0x1e8: {  	v13 =	vmul.f32 v15, v0;
	v15 =	vld [tilespmem:s14+$0x400];
	[tilespmem:s8+$0x0] =	vst v10  }
0x1e9: {  	v9 =	vmul.f32 v9, v5;
	v10 =	vld [tilespmem:s24+$0x1010];
	[dreg:$0x7] =	wrdreg s22  }
0x1ea: {  	[tilespmem:s22+$0x50] =	vst v13;
	v11 =	vld [tilespmem:s12+$0x840];
	v13 =	vmul.f32 v14, v2  }
0x1eb: {  	v14 =	vmul.f32 v16, v7;
	[tilespmem:s19+$0x40] =	vst v9  }
0x1ec: {  	v12 =	vmul.f32 v12, v1;
	[tilespmem:s15+$0x50] =	vst v13  }
0x1ed: {  	[tilespmem:s17+$0x70] =	vst v14;
	v13 =	vmul.f32 v15, v8  }
0x1ee: {  	v16 =	vld [tilespmem:s25+$0x1000];
	[tilespmem:s9+$0x20] =	vst v12;
	v18 =	vmul.f32 v10, v3  }
0x1ef: {  	v17 =	vld [tilespmem:s30+$0x850];
	[tilespmem:s3+$0x400] =	vst v13;
	v11 =	vmul.f32 v11, v6  }
0x1f0: {  	v9 =	vld [tilespmem:s23+$0x1460];
	[tilespmem:s8+$0x10] =	vst v18  }
0x1f1: {  	v14 =	vld [tilespmem:s13+$0x400];
	[tilespmem:s18+$0x40] =	vst v11  }
0x1f2: {  	s29 =	smov.u32 s26;
	v10 =	vld [tilespmem:s6+$0x1430];
	s26 =	rddreg [dreg:$0x15]  }
0x1f3: {  	s11 =	smov.u32 s25;
	s7 =	sadd.s32 $0x2, s20;
	v15 =	vld [tilespmem:s14+$0x410];
	s0 =	sshll.u32 s26, $0x6  }
0x1f4: {  	s20 =	simm.s32 $0x8;
	s16 =	sadd.s32 s1, s21;
	v12 =	vmul.f32 v16, v4;
	v13 =	vmul.f32 v17, v5;
	v11 =	vld [tilespmem:s24+$0x1020];
	[dreg:$0x16] =	wrdreg s0  }
.LBB2_3:
0x1f5: {  	_ = 	snop  }
0x1f6: {  	v16 =	vld [tilespmem:s7+$0x0];
	[tilespmem:s16+$0x0] =	vst v12;
	v9 =	vmul.f32 v9, v2  }
0x1f7: {  	[tilespmem:s19+$0x50] =	vst v13;
	v12 =	vld [tilespmem:s7+$0xFFFFFFFF];
	v14 =	vmul.f32 v14, v7  }
0x1f8: {  	v13 =	vld [tilespmem:s30+$0x860];
	v10 =	vmul.f32 v10, v1;
	[tilespmem:s15+$0x60] =	vst v9  }
0x1f9: {  	v9 =	vmul.f32 v15, v8;
	[tilespmem:s17+$0x400] =	vst v14;
	v14 =	vld [tilespmem:s23+$0x1470]  }
0x1fa: {  	v11 =	vmul.f32 v11, v3;
	v15 =	vld [tilespmem:s13+$0x410];
	[tilespmem:s9+$0x30] =	vst v10  }
0x1fb: {  	s23 =	smov.u32 s24;
	s24 =	smov.u32 s30;
	s30 =	smov.u32 s14;
	(v2sf) =	vpush v16, $0x0;
	[tilespmem:s3+$0x410] =	vst v9;
	v9 =	vld [tilespmem:s12+$0x850]  }
0x1fc: {  	v10 =	vld [tilespmem:s30+$0x420];
	[tilespmem:s8+$0x20] =	vst v11  }
0x1fd: {  	(v2sf) =	vpush v12, $0x0;
	v11 =	vmul.f32 v13, v5;
	v12 =	vld [tilespmem:s23+$0x1030]  }
0x1fe: {  	v13 =	vld [tilespmem:s11+$0x1010];
	v14 =	vmul.f32 v14, v2  }
0x1ff: {  	[tilespmem:s19+$0x60] =	vst v11;
	v11 =	vld [tilespmem:s6+$0x1440];
	v2 =	vmovc v3;
	v3 =	vmov v5;
	v5 =	vmov v8;
	v8 =	vmul.f32 v15, v7  }
0x200: {  	v9 =	vmul.f32 v9, v6;
	[tilespmem:s15+$0x70] =	vst v14;
	v14 =	vld [tilespmem:s29+$0x1460]  }
0x201: {  	[tilespmem:s17+$0x410] =	vst v8;
	v8 =	vmul.f32 v10, v5;
	v10 =	vld [tilespmem:s24+$0x870]  }
0x202: {  	v15 =	vld [tilespmem:s13+$0x420];
	[tilespmem:s18+$0x50] =	vst v9;
	v9 =	vmul.f32 v12, v2  }
0x203: {  	v12 =	vmul.f32 v13, v4;
	[tilespmem:s3+$0x420] =	vst v8;
	v8 =	vld [tilespmem:s12+$0x860]  }
0x204: {  	v13 =	vld [tilespmem:s30+$0x430];
	[tilespmem:s8+$0x30] =	vst v9;
	v9 =	vmul.f32 v11, v1  }
0x205: {  	[tilespmem:s16+$0x10] =	vst v12;
	v11 =	vld [tilespmem:s23+$0x1040];
	v12 =	vmul.f32 v14, v0  }
0x206: {  	s0 =	smov.u32 s29;
	s29 =	rddreg [dreg:$0x7];
	v14 =	vld [tilespmem:s11+$0x1020];
	v10 =	vmul.f32 v10, v3;
	[tilespmem:s9+$0x40] =	vst v9  }
0x207: {  	v9 =	vmul.f32 v15, v7;
	v15 =	vld [tilespmem:s6+$0x1450];
	[tilespmem:s29+$0x60] =	vst v12  }
0x208: {  	[dreg:$0xb] =	wrdreg s4;
	v8 =	vmul.f32 v8, v6;
	[tilespmem:s19+$0x70] =	vst v10;
	v10 =	vld [tilespmem:s0+$0x1470]  }
0x209: {  	s22 =	smov.u32 s31;
	s31 =	smov.u32 s12;
	s12 =	smov.u32 s13;
	[tilespmem:s17+$0x420] =	vst v9;
	v9 =	vmul.f32 v13, v5;
	v12 =	vld [tilespmem:s24+$0xC00]  }
0x20a: {  	s25 =	smov.u32 s11;
	s21 =	rddreg [dreg:$0x5];
	s19 =	spop (v2sf);
	v13 =	vld [tilespmem:s12+$0x430];
	[tilespmem:s18+$0x60] =	vst v8;
	v8 =	vmul.f32 v11, v2  }
0x20b: {  	s10 =	sadd.s32 $0x2, s10;
	s15 =	smov.u32 s6;
	s26 =	sshrl.u32 s19, $0x3;
	v11 =	vmul.f32 v14, v4;
	[tilespmem:s3+$0x430] =	vst v9;
	v9 =	vld [tilespmem:s31+$0x870]  }
0x20c: {  	s11 =	sshll.u32 s19, $0x7;
	s0 =	spop (v2sf);
	s13 =	smul.u32 $0x6000, s26;
	v14 =	vld [tilespmem:s30+$0x440];
	[tilespmem:s8+$0x40] =	vst v8;
	v8 =	vmul.f32 v15, v1  }
0x20d: {  	s11 =	sand.u32 $0x380, s11;
	s4 =	sshrl.u32 s0, $0x3;
	s6 =	sshll.u32 s0, $0x7;
	[tilespmem:s16+$0x20] =	vst v11;
	v11 =	vld [tilespmem:s23+$0x1050];
	v10 =	vmul.f32 v10, v0  }
0x20e: {  	s0 =	smov.u32 s28;
	s28 =	sadd.s32 $0x2900, s28;
	s13 =	sshra.s32 s13, $0x2;
	v0 =	vmovc v1;
	v1 =	vmovc v4;
	v4 =	vmov v6;
	v6 =	vmov v7;
	v7 =	vld.msk [tilespmem:s10+$0xFFFFFFFF ss:$0x0], $0xffff;
	v12 =	vmul.f32 v12, v3;
	[tilespmem:s9+$0x50] =	vst v8  }
0x20f: {  	s20 =	sadd.s32 $0x2, s20;
	s26 =	sadd.s32 s2, s28;
	s14 =	sor.u32 s11, s13;
	v8 =	vld.msk [tilespmem:s10+$0x0 ss:$0x0], $0xffff;
	v13 =	vmul.f32 v13, v6;
	[tilespmem:s29+$0x70] =	vst v10  }
0x210: {  	s13 =	sadd.s32 s21, s20;
	v10 =	vld [tilespmem:s14+$0x0];
	v9 =	vmul.f32 v9, v4;
	[tilespmem:s26+$0x0] =	vst v12  }
0x211: {  	s19 =	smul.u32 $0x6000, s4;
	s4 =	sshrl.u32 s13, $0x3;
	[tilespmem:s17+$0x430] =	vst v13;
	v12 =	vmul.f32 v14, v5;
	v13 =	vld [tilespmem:s24+$0xC10]  }
0x212: {  	s11 =	sand.u32 $0x380, s6;
	s6 =	smul.u32 $0x6000, s4;
	v14 =	vld [tilespmem:s12+$0x440];
	[tilespmem:s18+$0x70] =	vst v9;
	v9 =	vmul.f32 v11, v2  }
0x213: {  	s5 =	sadd.s32 $0x100, s5;
	[dreg:$0xc] =	wrdreg s15;
	[tilespmem:s3+$0x440] =	vst v12;
	v11 =	vld [tilespmem:s31+$0xC00]  }
0x214: {  	s13 =	sshra.s32 s19, $0x2;
	s19 =	smov.u32 s9;
	s29 =	sshra.s32 s6, $0x2;
	v12 =	vld [tilespmem:s30+$0x450];
	[tilespmem:s8+$0x50] =	vst v9  }
0x215: {  	s13 =	sor.u32 s11, s13;
	s11 =	sand.u32 $0x380, s5;
	s15 =	sadd.s32 $0x1D00, s29;
	v9 =	vmul.f32 v8, v10;
	v10 =	vld [tilespmem:s23+$0x1060]  }
0x216: {  	[dreg:$0x7] =	wrdreg s19;
	v15 =	vld [tilespmem:s13+$0x0];
	s19 =	sadd.s32 s11, s15;
	v13 =	vmul.f32 v13, v3  }
0x217: {  	[tilespmem:s19+$0x0] =	vst v9;
	v9 =	vmul.f32 v14, v6;
	v14 =	vld [tilespmem:s25+$0x1030]  }
0x218: {  	v16 =	vld [tilespmem:s14+$0x10];
	v11 =	vmul.f32 v11, v4;
	[tilespmem:s26+$0x10] =	vst v13  }
0x219: {  	s21 =	sadd.s32 s22, s28;
	[tilespmem:s17+$0x440] =	vst v9;
	v9 =	vmul.f32 v12, v5;
	v12 =	vld [tilespmem:s24+$0xC20]  }
0x21a: {  	s6 =	sadd.s32 $0xFFFFFF80, s5;
	v13 =	vld [tilespmem:s12+$0x450];
	[tilespmem:s21+$0x0] =	vst v11;
	v10 =	vmul.f32 v10, v2  }
0x21b: {  	s28 =	sand.u32 $0x300, s6;
	v11 =	vmul.f32 v7, v15;
	[tilespmem:s3+$0x450] =	vst v9;
	v9 =	vld [tilespmem:s31+$0xC10]  }
0x21c: {  	s18 =	sadd.s32 s28, s15;
	v15 =	vld [tilespmem:s30+$0x460];
	v14 =	vmul.f32 v14, v1;
	[tilespmem:s8+$0x60] =	vst v10  }
0x21d: {  	[tilespmem:s18+$0x0] =	vst v11;
	v10 =	vmul.f32 v16, v8;
	v11 =	vld [tilespmem:s23+$0x1070]  }
0x21e: {  	v16 =	vld [tilespmem:s13+$0x10];
	v12 =	vmul.f32 v12, v3;
	[tilespmem:s16+$0x30] =	vst v14  }
0x21f: {  	[tilespmem:s19+$0x10] =	vst v10;
	v10 =	vmul.f32 v13, v6;
	v13 =	vld [tilespmem:s25+$0x1040]  }
0x220: {  	v14 =	vld [tilespmem:s14+$0x20];
	v9 =	vmul.f32 v9, v4;
	[tilespmem:s26+$0x20] =	vst v12  }
0x221: {  	[tilespmem:s17+$0x450] =	vst v10;
	v10 =	vmul.f32 v15, v5;
	v12 =	vld [tilespmem:s24+$0xC30]  }
0x222: {  	v15 =	vld [tilespmem:s12+$0x460];
	[tilespmem:s21+$0x10] =	vst v9;
	v9 =	vmul.f32 v11, v2  }
0x223: {  	v11 =	vmul.f32 v16, v7;
	[tilespmem:s3+$0x460] =	vst v10;
	v10 =	vld [tilespmem:s31+$0xC20]  }
0x224: {  	v16 =	vld [tilespmem:s30+$0x470];
	v13 =	vmul.f32 v13, v1;
	[tilespmem:s8+$0x70] =	vst v9  }
0x225: {  	[tilespmem:s18+$0x10] =	vst v11;
	v9 =	vmul.f32 v14, v8;
	v11 =	vld [tilespmem:s23+$0x1400]  }
0x226: {  	v14 =	vld [tilespmem:s13+$0x20];
	v12 =	vmul.f32 v12, v3;
	[tilespmem:s16+$0x40] =	vst v13  }
0x227: {  	[tilespmem:s19+$0x20] =	vst v9;
	v9 =	vmul.f32 v15, v6;
	v13 =	vld [tilespmem:s25+$0x1050]  }
0x228: {  	s9 =	rddreg [dreg:$0x6];
	v15 =	vld [tilespmem:s14+$0x30];
	v10 =	vmul.f32 v10, v4;
	[tilespmem:s26+$0x30] =	vst v12  }
0x229: {  	s4 =	rddreg [dreg:$0xb];
	[tilespmem:s17+$0x460] =	vst v9;
	v9 =	vmul.f32 v16, v5;
	v12 =	vld [tilespmem:s24+$0xC40]  }
0x22a: {  	s15 =	rddreg [dreg:$0x9];
	s8 =	sadd.s32 $0x3100, s9;
	v16 =	vld [tilespmem:s12+$0x470];
	[tilespmem:s21+$0x20] =	vst v10;
	v10 =	vmul.f32 v11, v2  }
0x22b: {  	s6 =	smov.u32 s0;
	s0 =	smov.u32 s15;
	s15 =	sadd.s32 s4, s8;
	v11 =	vmul.f32 v14, v7;
	[tilespmem:s3+$0x470] =	vst v9;
	v9 =	vld [tilespmem:s31+$0xC30]  }
0x22c: {  	v14 =	vld [tilespmem:s30+$0x800];
	v13 =	vmul.f32 v13, v1;
	[tilespmem:s15+$0x0] =	vst v10  }
0x22d: {  	s9 =	sadd.s32 s1, s8;
	s3 =	rddreg [dreg:$0x8];
	[tilespmem:s18+$0x20] =	vst v11;
	v10 =	vmul.f32 v15, v8;
	v11 =	vld [tilespmem:s23+$0x1410]  }
0x22e: {  	s4 =	smov.u32 s2;
	s2 =	smov.u32 s3;
	s3 =	smov.u32 s19;
	v15 =	vld [tilespmem:s13+$0x30];
	v12 =	vmul.f32 v12, v3;
	[tilespmem:s16+$0x50] =	vst v13  }
0x22f: {  	s8 =	smov.u32 s29;
	s1 =	smov.u32 s22;
	s22 =	rddreg [dreg:$0xa];
	[tilespmem:s3+$0x30] =	vst v10;
	v10 =	vmul.f32 v16, v6;
	v13 =	vld [tilespmem:s25+$0x1060]  }
0x230: {  	[dreg:$0x9] =	wrdreg s8;
	s8 =	smov.u32 s11;
	v16 =	vld [tilespmem:s14+$0x40];
	v9 =	vmul.f32 v9, v4;
	[tilespmem:s26+$0x40] =	vst v12  }
0x231: {  	s11 =	smov.u32 s31;
	s31 =	smov.u32 s22;
	s22 =	sadd.s32 $0x2500, s0;
	[tilespmem:s17+$0x470] =	vst v10;
	v10 =	vmul.f32 v14, v5;
	v12 =	vld [tilespmem:s24+$0xC50]  }
0x232: {  	s19 =	sadd.s32 s2, s22;
	v14 =	vld [tilespmem:s12+$0x800];
	[tilespmem:s21+$0x30] =	vst v9;
	v9 =	vmul.f32 v11, v2  }
0x233: {  	v11 =	vmul.f32 v15, v7;
	[tilespmem:s19+$0x0] =	vst v10;
	v10 =	vld [tilespmem:s11+$0xC40]  }
0x234: {  	s17 =	smov.u32 s18;
	v15 =	vld [tilespmem:s30+$0x810];
	v13 =	vmul.f32 v13, v1;
	[tilespmem:s15+$0x10] =	vst v9  }
0x235: {  	[tilespmem:s17+$0x30] =	vst v11;
	v9 =	vmul.f32 v16, v8;
	v11 =	vld [tilespmem:s23+$0x1420]  }
0x236: {  	v16 =	vld [tilespmem:s13+$0x40];
	v12 =	vmul.f32 v12, v3;
	[tilespmem:s16+$0x60] =	vst v13  }
0x237: {  	[tilespmem:s3+$0x40] =	vst v9;
	v9 =	vmul.f32 v14, v6;
	v13 =	vld [tilespmem:s25+$0x1070]  }
0x238: {  	s18 =	sadd.s32 s31, s22;
	v14 =	vld [tilespmem:s14+$0x50];
	v10 =	vmul.f32 v10, v4;
	[tilespmem:s26+$0x50] =	vst v12  }
0x239: {  	[tilespmem:s18+$0x0] =	vst v9;
	v9 =	vmul.f32 v15, v5;
	v12 =	vld [tilespmem:s24+$0xC60]  }
0x23a: {  	v15 =	vld [tilespmem:s12+$0x810];
	[tilespmem:s21+$0x40] =	vst v10;
	v10 =	vmul.f32 v11, v2  }
0x23b: {  	v11 =	vmul.f32 v16, v7;
	[tilespmem:s19+$0x10] =	vst v9;
	v9 =	vld [tilespmem:s11+$0xC50]  }
0x23c: {  	v16 =	vld [tilespmem:s30+$0x820];
	v13 =	vmul.f32 v13, v1;
	[tilespmem:s15+$0x20] =	vst v10  }
0x23d: {  	[tilespmem:s17+$0x40] =	vst v11;
	v10 =	vmul.f32 v14, v8;
	v11 =	vld [tilespmem:s23+$0x1430]  }
0x23e: {  	v14 =	vld [tilespmem:s13+$0x50];
	v12 =	vmul.f32 v12, v3;
	[tilespmem:s16+$0x70] =	vst v13  }
0x23f: {  	[tilespmem:s3+$0x50] =	vst v10;
	v10 =	vmul.f32 v15, v6;
	v13 =	vld [tilespmem:s25+$0x1400]  }
0x240: {  	v15 =	vld [tilespmem:s14+$0x60];
	v9 =	vmul.f32 v9, v4;
	[tilespmem:s26+$0x60] =	vst v12  }
0x241: {  	[tilespmem:s18+$0x10] =	vst v10;
	v10 =	vmul.f32 v16, v5;
	v12 =	vld [tilespmem:s24+$0xC70]  }
0x242: {  	v16 =	vld [tilespmem:s12+$0x820];
	[tilespmem:s21+$0x50] =	vst v9;
	v9 =	vmul.f32 v11, v2  }
0x243: {  	v11 =	vmul.f32 v14, v7;
	[tilespmem:s19+$0x20] =	vst v10;
	v10 =	vld [tilespmem:s11+$0xC60]  }
0x244: {  	v14 =	vld [tilespmem:s30+$0x830];
	v13 =	vmul.f32 v13, v1;
	[tilespmem:s15+$0x30] =	vst v9  }
0x245: {  	[tilespmem:s17+$0x50] =	vst v11;
	v9 =	vmul.f32 v15, v8;
	v11 =	vld [tilespmem:s23+$0x1440]  }
0x246: {  	v15 =	vld [tilespmem:s13+$0x60];
	v12 =	vmul.f32 v12, v3;
	[tilespmem:s9+$0x0] =	vst v13  }
0x247: {  	[tilespmem:s3+$0x60] =	vst v9;
	v9 =	vmul.f32 v16, v6;
	v13 =	vld [tilespmem:s25+$0x1410]  }
0x248: {  	v16 =	vld [tilespmem:s14+$0x70];
	v10 =	vmul.f32 v10, v4;
	[tilespmem:s26+$0x70] =	vst v12  }
0x249: {  	[tilespmem:s18+$0x20] =	vst v9;
	v9 =	vmul.f32 v14, v5;
	v12 =	vld [tilespmem:s24+$0x1000]  }
0x24a: {  	v14 =	vld [tilespmem:s12+$0x830];
	[tilespmem:s21+$0x60] =	vst v10;
	v10 =	vmul.f32 v11, v2  }
0x24b: {  	v11 =	vmul.f32 v15, v7;
	[tilespmem:s19+$0x30] =	vst v9;
	v9 =	vld [tilespmem:s11+$0xC70]  }
0x24c: {  	v15 =	vld [tilespmem:s30+$0x840];
	v13 =	vmul.f32 v13, v1;
	[tilespmem:s15+$0x40] =	vst v10  }
0x24d: {  	[tilespmem:s17+$0x60] =	vst v11;
	v10 =	vmul.f32 v16, v8;
	v11 =	vld [tilespmem:s23+$0x1450]  }
0x24e: {  	[dreg:$0x8] =	wrdreg s8;
	s8 =	smov.u32 s28;
	s26 =	sadd.s32 $0x2D00, s6;
	v16 =	vld [tilespmem:s13+$0x70];
	v12 =	vmul.f32 v12, v3;
	[tilespmem:s9+$0x10] =	vst v13  }
0x24f: {  	[dreg:$0xa] =	wrdreg s8;
	s8 =	sadd.s32 s4, s26;
	[tilespmem:s3+$0x70] =	vst v10;
	v10 =	vmul.f32 v14, v6;
	v13 =	vld [tilespmem:s25+$0x1420]  }
0x250: {  	v14 =	vld [tilespmem:s14+$0x400];
	v9 =	vmul.f32 v9, v4;
	[tilespmem:s8+$0x0] =	vst v12  }
0x251: {  	[tilespmem:s18+$0x30] =	vst v10;
	v10 =	vmul.f32 v15, v5;
	v12 =	vld [tilespmem:s24+$0x1010]  }
0x252: {  	v15 =	vld [tilespmem:s12+$0x840];
	[tilespmem:s21+$0x70] =	vst v9;
	v9 =	vmul.f32 v11, v2  }
0x253: {  	v11 =	vmul.f32 v16, v7;
	[tilespmem:s19+$0x40] =	vst v10;
	v16 =	vld [tilespmem:s11+$0x1000]  }
0x254: {  	p1 =	slt.u32 s20, $0x3E;
	v17 =	vld [tilespmem:s30+$0x850];
	v10 =	vmul.f32 v13, v1;
	[tilespmem:s15+$0x50] =	vst v9  }
.Ltmp0:
0x255: {  	[tilespmem:s17+$0x70] =	vst v11;
	v11 =	vmul.f32 v14, v8;
	v9 =	vld [tilespmem:s23+$0x1460];
	(pc) =	sbr.rel @p1 .LBB2_3-.Ltmp0, $4  }
0x256: {  	v14 =	vld [tilespmem:s13+$0x400];
	v13 =	vmul.f32 v12, v3;
	[tilespmem:s9+$0x20] =	vst v10  }
0x257: {  	[dreg:$0x6] =	wrdreg s6;
	[tilespmem:s3+$0x400] =	vst v11;
	v11 =	vmul.f32 v15, v6;
	v10 =	vld [tilespmem:s25+$0x1430]  }
0x258: {  	s7 =	sadd.s32 $0x2, s7;
	s29 =	rddreg [dreg:$0xc];
	v15 =	vld [tilespmem:s14+$0x410];
	[tilespmem:s8+$0x10] =	vst v13  }
0x259: {  	s28 =	smov.u32 s0;
	s6 =	smov.u32 s25;
	s16 =	sadd.s32 s1, s26;
	v12 =	vmul.f32 v16, v4;
	[tilespmem:s18+$0x40] =	vst v11;
	v13 =	vmul.f32 v17, v5;
	v11 =	vld [tilespmem:s24+$0x1020]  }
0x25a: {  	_ = 	snop  }
0x25b: {  	v14 =	vmul.f32 v14, v7;
	_ =	sdelay $0x1  }
0x25c: {  	[tilespmem:s17+$0x400] =	vst v14  }
0x25d: {  	v14 =	vld [tilespmem:s13+$0x410];
	_ =	sdelay $0x1  }
0x25e: {  	v15 =	vmul.f32 v15, v8;
	_ =	sdelay $0x1  }
0x25f: {  	[tilespmem:s3+$0x410] =	vst v15  }
0x260: {  	v15 =	vld [tilespmem:s14+$0x420];
	v14 =	vmul.f32 v14, v7;
	_ =	sdelay $0x1  }
0x261: {  	[tilespmem:s17+$0x410] =	vst v14  }
0x262: {  	v14 =	vld [tilespmem:s13+$0x420];
	_ =	sdelay $0x1  }
0x263: {  	v15 =	vmul.f32 v15, v8;
	_ =	sdelay $0x1  }
0x264: {  	[tilespmem:s3+$0x420] =	vst v15  }
0x265: {  	v15 =	vld [tilespmem:s14+$0x430];
	v14 =	vmul.f32 v14, v7;
	_ =	sdelay $0x1  }
0x266: {  	[tilespmem:s17+$0x420] =	vst v14  }
0x267: {  	v14 =	vld [tilespmem:s13+$0x430];
	_ =	sdelay $0x1  }
0x268: {  	v15 =	vmul.f32 v15, v8;
	_ =	sdelay $0x1  }
0x269: {  	[tilespmem:s3+$0x430] =	vst v15  }
0x26a: {  	v15 =	vld [tilespmem:s14+$0x440];
	v14 =	vmul.f32 v14, v7;
	_ =	sdelay $0x1  }
0x26b: {  	[tilespmem:s17+$0x430] =	vst v14  }
0x26c: {  	v14 =	vld [tilespmem:s13+$0x440];
	_ =	sdelay $0x1  }
0x26d: {  	v15 =	vmul.f32 v15, v8;
	_ =	sdelay $0x1  }
0x26e: {  	[tilespmem:s3+$0x440] =	vst v15  }
0x26f: {  	v15 =	vld [tilespmem:s14+$0x450];
	v14 =	vmul.f32 v14, v7;
	_ =	sdelay $0x1  }
0x270: {  	[tilespmem:s17+$0x440] =	vst v14  }
0x271: {  	v14 =	vld [tilespmem:s13+$0x450];
	_ =	sdelay $0x1  }
0x272: {  	v15 =	vmul.f32 v15, v8;
	_ =	sdelay $0x1  }
0x273: {  	[tilespmem:s3+$0x450] =	vst v15  }
0x274: {  	v15 =	vld [tilespmem:s14+$0x460];
	v14 =	vmul.f32 v14, v7;
	_ =	sdelay $0x1  }
0x275: {  	[tilespmem:s17+$0x450] =	vst v14  }
0x276: {  	v14 =	vld [tilespmem:s13+$0x460];
	_ =	sdelay $0x1  }
0x277: {  	v15 =	vmul.f32 v15, v8;
	_ =	sdelay $0x1  }
0x278: {  	[tilespmem:s3+$0x460] =	vst v15  }
0x279: {  	v15 =	vld [tilespmem:s14+$0x470];
	v14 =	vmul.f32 v14, v7;
	_ =	sdelay $0x1  }
0x27a: {  	[tilespmem:s17+$0x460] =	vst v14  }
0x27b: {  	v14 =	vld [tilespmem:s13+$0x470];
	_ =	sdelay $0x1  }
0x27c: {  	v15 =	vmul.f32 v15, v8;
	_ =	sdelay $0x1  }
0x27d: {  	[tilespmem:s3+$0x470] =	vst v15  }
0x27e: {  	v15 =	vld [tilespmem:s14+$0x800];
	v14 =	vmul.f32 v14, v7;
	_ =	sdelay $0x1  }
0x27f: {  	[tilespmem:s17+$0x470] =	vst v14  }
0x280: {  	v14 =	vld [tilespmem:s13+$0x800]  }
0x281: {  	s20 =	rddreg [dreg:$0x9]  }
0x282: {  	v15 =	vmul.f32 v15, v8;
	s17 =	rddreg [dreg:$0x8];
	s10 =	sadd.s32 $0x2500, s20  }
0x283: {  	s5 =	sadd.s32 s17, s10  }
0x284: {  	[tilespmem:s5+$0x0] =	vst v15  }
0x285: {  	s21 =	rddreg [dreg:$0xa];
	v14 =	vmul.f32 v14, v7  }
0x286: {  	s3 =	sadd.s32 s21, s10  }
0x287: {  	v15 =	vld [tilespmem:s14+$0x810];
	[tilespmem:s3+$0x0] =	vst v14  }
0x288: {  	v14 =	vld [tilespmem:s13+$0x810];
	_ =	sdelay $0x3  }
0x289: {  	v15 =	vmul.f32 v15, v8  }
0x28a: {  	v14 =	vmul.f32 v14, v7  }
0x28b: {  	[tilespmem:s5+$0x10] =	vst v15  }
0x28c: {  	v15 =	vld [tilespmem:s14+$0x820];
	[tilespmem:s3+$0x10] =	vst v14  }
0x28d: {  	v14 =	vld [tilespmem:s13+$0x820];
	_ =	sdelay $0x3  }
0x28e: {  	v15 =	vmul.f32 v15, v8  }
0x28f: {  	v14 =	vmul.f32 v14, v7  }
0x290: {  	[tilespmem:s5+$0x20] =	vst v15  }
0x291: {  	v15 =	vld [tilespmem:s14+$0x830];
	[tilespmem:s3+$0x20] =	vst v14  }
0x292: {  	v14 =	vld [tilespmem:s13+$0x830];
	_ =	sdelay $0x3  }
0x293: {  	v15 =	vmul.f32 v15, v8  }
0x294: {  	v14 =	vmul.f32 v14, v7  }
0x295: {  	[tilespmem:s5+$0x30] =	vst v15  }
0x296: {  	v15 =	vld [tilespmem:s14+$0x840];
	[tilespmem:s3+$0x30] =	vst v14  }
0x297: {  	v14 =	vld [tilespmem:s13+$0x840];
	_ =	sdelay $0x3  }
0x298: {  	v15 =	vmul.f32 v15, v8  }
0x299: {  	v14 =	vmul.f32 v14, v7  }
0x29a: {  	v16 =	vld [tilespmem:s12+$0x850];
	[tilespmem:s5+$0x40] =	vst v15  }
0x29b: {  	v15 =	vld [tilespmem:s14+$0x850];
	[tilespmem:s3+$0x40] =	vst v14  }
0x29c: {  	v14 =	vld [tilespmem:s13+$0x850];
	_ =	sdelay $0x2  }
0x29d: {  	v16 =	vmul.f32 v16, v6  }
0x29e: {  	[tilespmem:s19+$0x50] =	vst v13;
	v22 =	vmul.f32 v15, v8  }
0x29f: {  	[tilespmem:s18+$0x50] =	vst v16;
	v23 =	vld [tilespmem:s30+$0x860];
	v24 =	vmul.f32 v14, v7  }
0x2a0: {  	v16 =	vld [tilespmem:s12+$0x860];
	[tilespmem:s5+$0x50] =	vst v22  }
0x2a1: {  	v25 =	vld [tilespmem:s14+$0x860];
	[tilespmem:s3+$0x50] =	vst v24  }
0x2a2: {  	v13 =	vld [tilespmem:s13+$0x860];
	_ =	sdelay $0x1  }
0x2a3: {  	v15 =	vmul.f32 v23, v5  }
0x2a4: {  	v16 =	vmul.f32 v16, v6  }
0x2a5: {  	[tilespmem:s19+$0x60] =	vst v15;
	v14 =	vmul.f32 v25, v8  }
0x2a6: {  	[tilespmem:s18+$0x60] =	vst v16;
	v15 =	vld [tilespmem:s30+$0x870];
	v13 =	vmul.f32 v13, v7  }
0x2a7: {  	v16 =	vld [tilespmem:s12+$0x870];
	[tilespmem:s5+$0x60] =	vst v14  }
0x2a8: {  	v14 =	vld [tilespmem:s14+$0x870];
	[tilespmem:s3+$0x60] =	vst v13  }
0x2a9: {  	v13 =	vld [tilespmem:s13+$0x870];
	_ =	sdelay $0x1  }
0x2aa: {  	v15 =	vmul.f32 v15, v5  }
0x2ab: {  	v16 =	vmul.f32 v16, v6  }
0x2ac: {  	[tilespmem:s19+$0x70] =	vst v15;
	v14 =	vmul.f32 v14, v8  }
0x2ad: {  	[tilespmem:s18+$0x70] =	vst v16;
	v15 =	vld [tilespmem:s30+$0xC00];
	v13 =	vmul.f32 v13, v7  }
0x2ae: {  	v16 =	vld [tilespmem:s12+$0xC00];
	[tilespmem:s5+$0x70] =	vst v14  }
0x2af: {  	v14 =	vld [tilespmem:s14+$0xC00];
	[tilespmem:s3+$0x70] =	vst v13  }
0x2b0: {  	v13 =	vld [tilespmem:s13+$0xC00];
	_ =	sdelay $0x1  }
0x2b1: {  	s18 =	sadd.s32 $0x2900, s28;
	v15 =	vmul.f32 v15, v5  }
0x2b2: {  	v16 =	vmul.f32 v16, v6;
	s19 =	sadd.s32 s2, s18  }
0x2b3: {  	s10 =	sadd.s32 $0x2900, s20;
	[tilespmem:s19+$0x0] =	vst v15;
	s5 =	sadd.s32 s31, s18;
	v14 =	vmul.f32 v14, v8  }
0x2b4: {  	s7 =	sadd.s32 s17, s10;
	v15 =	vld [tilespmem:s30+$0xC10];
	[tilespmem:s5+$0x0] =	vst v16;
	v13 =	vmul.f32 v13, v7  }
0x2b5: {  	s10 =	sadd.s32 s21, s10;
	v16 =	vld [tilespmem:s12+$0xC10];
	[tilespmem:s7+$0x0] =	vst v14  }
0x2b6: {  	v14 =	vld [tilespmem:s14+$0xC10];
	[tilespmem:s10+$0x0] =	vst v13  }
0x2b7: {  	v13 =	vld [tilespmem:s13+$0xC10];
	_ =	sdelay $0x1  }
0x2b8: {  	v15 =	vmul.f32 v15, v5  }
0x2b9: {  	v16 =	vmul.f32 v16, v6  }
0x2ba: {  	[tilespmem:s19+$0x10] =	vst v15;
	v14 =	vmul.f32 v14, v8  }
0x2bb: {  	v15 =	vld [tilespmem:s30+$0xC20];
	[tilespmem:s5+$0x10] =	vst v16;
	v13 =	vmul.f32 v13, v7  }
0x2bc: {  	v16 =	vld [tilespmem:s12+$0xC20];
	[tilespmem:s7+$0x10] =	vst v14  }
0x2bd: {  	v14 =	vld [tilespmem:s14+$0xC20];
	[tilespmem:s10+$0x10] =	vst v13  }
0x2be: {  	v13 =	vld [tilespmem:s13+$0xC20];
	_ =	sdelay $0x1  }
0x2bf: {  	v15 =	vmul.f32 v15, v5  }
0x2c0: {  	v16 =	vmul.f32 v16, v6  }
0x2c1: {  	[tilespmem:s19+$0x20] =	vst v15;
	v14 =	vmul.f32 v14, v8  }
0x2c2: {  	v15 =	vld [tilespmem:s30+$0xC30];
	[tilespmem:s5+$0x20] =	vst v16;
	v13 =	vmul.f32 v13, v7  }
0x2c3: {  	v16 =	vld [tilespmem:s12+$0xC30];
	[tilespmem:s7+$0x20] =	vst v14  }
0x2c4: {  	v14 =	vld [tilespmem:s14+$0xC30];
	[tilespmem:s10+$0x20] =	vst v13  }
0x2c5: {  	v13 =	vld [tilespmem:s13+$0xC30];
	_ =	sdelay $0x1  }
0x2c6: {  	v15 =	vmul.f32 v15, v5  }
0x2c7: {  	v16 =	vmul.f32 v16, v6  }
0x2c8: {  	[tilespmem:s19+$0x30] =	vst v15;
	v14 =	vmul.f32 v14, v8  }
0x2c9: {  	v15 =	vld [tilespmem:s30+$0xC40];
	[tilespmem:s5+$0x30] =	vst v16;
	v13 =	vmul.f32 v13, v7  }
0x2ca: {  	v16 =	vld [tilespmem:s12+$0xC40];
	[tilespmem:s7+$0x30] =	vst v14  }
0x2cb: {  	v14 =	vld [tilespmem:s14+$0xC40];
	[tilespmem:s10+$0x30] =	vst v13  }
0x2cc: {  	v13 =	vld [tilespmem:s13+$0xC40];
	_ =	sdelay $0x1  }
0x2cd: {  	v15 =	vmul.f32 v15, v5  }
0x2ce: {  	v16 =	vmul.f32 v16, v6  }
0x2cf: {  	[tilespmem:s19+$0x40] =	vst v15;
	v14 =	vmul.f32 v14, v8  }
0x2d0: {  	v15 =	vld [tilespmem:s30+$0xC50];
	[tilespmem:s5+$0x40] =	vst v16;
	v13 =	vmul.f32 v13, v7  }
0x2d1: {  	v16 =	vld [tilespmem:s12+$0xC50];
	[tilespmem:s7+$0x40] =	vst v14  }
0x2d2: {  	v14 =	vld [tilespmem:s14+$0xC50];
	[tilespmem:s10+$0x40] =	vst v13  }
0x2d3: {  	v13 =	vld [tilespmem:s13+$0xC50];
	_ =	sdelay $0x1  }
0x2d4: {  	v15 =	vmul.f32 v15, v5  }
0x2d5: {  	v16 =	vmul.f32 v16, v6  }
0x2d6: {  	[tilespmem:s19+$0x50] =	vst v15;
	v14 =	vmul.f32 v14, v8  }
0x2d7: {  	v15 =	vld [tilespmem:s30+$0xC60];
	[tilespmem:s5+$0x50] =	vst v16;
	v13 =	vmul.f32 v13, v7  }
0x2d8: {  	v16 =	vld [tilespmem:s12+$0xC60];
	[tilespmem:s7+$0x50] =	vst v14  }
0x2d9: {  	v14 =	vld [tilespmem:s14+$0xC60];
	[tilespmem:s10+$0x50] =	vst v13  }
0x2da: {  	v13 =	vld [tilespmem:s13+$0xC60];
	_ =	sdelay $0x1  }
0x2db: {  	v15 =	vmul.f32 v15, v5  }
0x2dc: {  	v16 =	vmul.f32 v16, v6  }
0x2dd: {  	[tilespmem:s19+$0x60] =	vst v15;
	v14 =	vmul.f32 v14, v8  }
0x2de: {  	v15 =	vld [tilespmem:s30+$0xC70];
	[tilespmem:s5+$0x60] =	vst v16;
	v13 =	vmul.f32 v13, v7  }
0x2df: {  	v16 =	vld [tilespmem:s12+$0xC70];
	[tilespmem:s7+$0x60] =	vst v14  }
0x2e0: {  	v14 =	vld [tilespmem:s14+$0xC70];
	[tilespmem:s10+$0x60] =	vst v13  }
0x2e1: {  	v13 =	vld [tilespmem:s13+$0xC70];
	_ =	sdelay $0x1  }
0x2e2: {  	v15 =	vmul.f32 v15, v5  }
0x2e3: {  	v16 =	vmul.f32 v16, v6  }
0x2e4: {  	[tilespmem:s19+$0x70] =	vst v15;
	v14 =	vmul.f32 v14, v8  }
0x2e5: {  	v15 =	vld [tilespmem:s30+$0x1000];
	[tilespmem:s5+$0x70] =	vst v16;
	v13 =	vmul.f32 v13, v7  }
0x2e6: {  	v16 =	vld [tilespmem:s12+$0x1000];
	[tilespmem:s7+$0x70] =	vst v14  }
0x2e7: {  	v14 =	vld [tilespmem:s14+$0x1000];
	[tilespmem:s10+$0x70] =	vst v13  }
0x2e8: {  	v13 =	vld [tilespmem:s13+$0x1000];
	_ =	sdelay $0x1  }
0x2e9: {  	s22 =	sadd.s32 $0x2D00, s28;
	v15 =	vmul.f32 v15, v5  }
0x2ea: {  	s25 =	sadd.s32 s2, s22;
	[tilespmem:s16+$0x0] =	vst v12;
	v27 =	vmul.f32 v16, v6  }
0x2eb: {  	s26 =	sadd.s32 $0x2D00, s20;
	v28 =	vld [tilespmem:s11+$0x1010];
	s5 =	sadd.s32 s31, s22;
	[tilespmem:s25+$0x0] =	vst v15;
	v14 =	vmul.f32 v14, v8  }
0x2ec: {  	s0 =	sadd.s32 s17, s26;
	v26 =	vld [tilespmem:s30+$0x1010];
	[tilespmem:s5+$0x0] =	vst v27;
	v13 =	vmul.f32 v13, v7  }
0x2ed: {  	v15 =	vld [tilespmem:s12+$0x1010];
	s10 =	sadd.s32 s21, s26;
	[tilespmem:s0+$0x0] =	vst v14  }
0x2ee: {  	v14 =	vld [tilespmem:s14+$0x1010];
	[tilespmem:s10+$0x0] =	vst v13  }
0x2ef: {  	v13 =	vld [tilespmem:s13+$0x1010]  }
0x2f0: {  	v16 =	vmul.f32 v28, v4  }
0x2f1: {  	v12 =	vmul.f32 v26, v5  }
0x2f2: {  	[tilespmem:s16+$0x10] =	vst v16;
	v15 =	vmul.f32 v15, v6  }
0x2f3: {  	v16 =	vld [tilespmem:s11+$0x1020];
	[tilespmem:s25+$0x10] =	vst v12;
	v29 =	vmul.f32 v14, v8  }
0x2f4: {  	v30 =	vld [tilespmem:s30+$0x1020];
	[tilespmem:s5+$0x10] =	vst v15;
	v31 =	vmul.f32 v13, v7  }
0x2f5: {  	v15 =	vld [tilespmem:s12+$0x1020];
	[tilespmem:s0+$0x10] =	vst v29  }
0x2f6: {  	v32 =	vld [tilespmem:s14+$0x1020];
	[tilespmem:s10+$0x10] =	vst v31  }
0x2f7: {  	v11 =	vmul.f32 v11, v3;
	v12 =	vld [tilespmem:s13+$0x1020]  }
0x2f8: {  	v16 =	vmul.f32 v16, v4  }
0x2f9: {  	[tilespmem:s8+$0x20] =	vst v11;
	v33 =	vmul.f32 v30, v5  }
0x2fa: {  	v34 =	vld [tilespmem:s24+$0x1030];
	[tilespmem:s16+$0x20] =	vst v16;
	v15 =	vmul.f32 v15, v6  }
0x2fb: {  	v16 =	vld [tilespmem:s11+$0x1030];
	[tilespmem:s25+$0x20] =	vst v33;
	v35 =	vmul.f32 v32, v8  }
0x2fc: {  	v36 =	vld [tilespmem:s30+$0x1030];
	[tilespmem:s5+$0x20] =	vst v15;
	v37 =	vmul.f32 v12, v7  }
0x2fd: {  	v15 =	vld [tilespmem:s12+$0x1030];
	[tilespmem:s0+$0x20] =	vst v35  }
0x2fe: {  	v38 =	vld [tilespmem:s14+$0x1030];
	[tilespmem:s10+$0x20] =	vst v37  }
0x2ff: {  	v14 =	vmul.f32 v34, v3;
	v11 =	vld [tilespmem:s13+$0x1030]  }
0x300: {  	v16 =	vmul.f32 v16, v4  }
0x301: {  	[tilespmem:s8+$0x30] =	vst v14;
	v13 =	vmul.f32 v36, v5  }
0x302: {  	v14 =	vld [tilespmem:s24+$0x1040];
	[tilespmem:s16+$0x30] =	vst v16;
	v15 =	vmul.f32 v15, v6  }
0x303: {  	v16 =	vld [tilespmem:s11+$0x1040];
	[tilespmem:s25+$0x30] =	vst v13;
	v12 =	vmul.f32 v38, v8  }
0x304: {  	v13 =	vld [tilespmem:s30+$0x1040];
	[tilespmem:s5+$0x30] =	vst v15;
	v11 =	vmul.f32 v11, v7  }
0x305: {  	v15 =	vld [tilespmem:s12+$0x1040];
	[tilespmem:s0+$0x30] =	vst v12  }
0x306: {  	v12 =	vld [tilespmem:s14+$0x1040];
	[tilespmem:s10+$0x30] =	vst v11  }
0x307: {  	v14 =	vmul.f32 v14, v3;
	v11 =	vld [tilespmem:s13+$0x1040]  }
0x308: {  	v16 =	vmul.f32 v16, v4  }
0x309: {  	[tilespmem:s8+$0x40] =	vst v14;
	v13 =	vmul.f32 v13, v5  }
0x30a: {  	v14 =	vld [tilespmem:s24+$0x1050];
	[tilespmem:s16+$0x40] =	vst v16;
	v15 =	vmul.f32 v15, v6  }
0x30b: {  	v16 =	vld [tilespmem:s11+$0x1050];
	[tilespmem:s25+$0x40] =	vst v13;
	v12 =	vmul.f32 v12, v8  }
0x30c: {  	v13 =	vld [tilespmem:s30+$0x1050];
	[tilespmem:s5+$0x40] =	vst v15;
	v11 =	vmul.f32 v11, v7  }
0x30d: {  	v15 =	vld [tilespmem:s12+$0x1050];
	[tilespmem:s0+$0x40] =	vst v12  }
0x30e: {  	v12 =	vld [tilespmem:s14+$0x1050];
	[tilespmem:s10+$0x40] =	vst v11  }
0x30f: {  	v14 =	vmul.f32 v14, v3;
	v11 =	vld [tilespmem:s13+$0x1050]  }
0x310: {  	v16 =	vmul.f32 v16, v4  }
0x311: {  	[tilespmem:s8+$0x50] =	vst v14;
	v13 =	vmul.f32 v13, v5  }
0x312: {  	v14 =	vld [tilespmem:s24+$0x1060];
	[tilespmem:s16+$0x50] =	vst v16;
	v15 =	vmul.f32 v15, v6  }
0x313: {  	v16 =	vld [tilespmem:s11+$0x1060];
	[tilespmem:s25+$0x50] =	vst v13;
	v12 =	vmul.f32 v12, v8  }
0x314: {  	v13 =	vld [tilespmem:s30+$0x1060];
	[tilespmem:s5+$0x50] =	vst v15;
	v11 =	vmul.f32 v11, v7  }
0x315: {  	v15 =	vld [tilespmem:s12+$0x1060];
	[tilespmem:s0+$0x50] =	vst v12  }
0x316: {  	v12 =	vld [tilespmem:s14+$0x1060];
	[tilespmem:s10+$0x50] =	vst v11  }
0x317: {  	v14 =	vmul.f32 v14, v3;
	v11 =	vld [tilespmem:s13+$0x1060]  }
0x318: {  	v16 =	vmul.f32 v16, v4  }
0x319: {  	[tilespmem:s8+$0x60] =	vst v14;
	v13 =	vmul.f32 v13, v5  }
0x31a: {  	v14 =	vld [tilespmem:s24+$0x1070];
	[tilespmem:s16+$0x60] =	vst v16;
	v15 =	vmul.f32 v15, v6  }
0x31b: {  	v16 =	vld [tilespmem:s11+$0x1070];
	[tilespmem:s25+$0x60] =	vst v13;
	v12 =	vmul.f32 v12, v8  }
0x31c: {  	v13 =	vld [tilespmem:s30+$0x1070];
	[tilespmem:s5+$0x60] =	vst v15;
	v11 =	vmul.f32 v11, v7  }
0x31d: {  	v15 =	vld [tilespmem:s12+$0x1070];
	[tilespmem:s0+$0x60] =	vst v12  }
0x31e: {  	v12 =	vld [tilespmem:s14+$0x1070];
	[tilespmem:s10+$0x60] =	vst v11  }
0x31f: {  	v14 =	vmul.f32 v14, v3;
	v11 =	vld [tilespmem:s13+$0x1070]  }
0x320: {  	v16 =	vmul.f32 v16, v4  }
0x321: {  	[tilespmem:s8+$0x70] =	vst v14;
	v13 =	vmul.f32 v13, v5  }
0x322: {  	[tilespmem:s16+$0x70] =	vst v16;
	v15 =	vmul.f32 v15, v6  }
0x323: {  	v14 =	vld [tilespmem:s24+$0x1400];
	[tilespmem:s25+$0x70] =	vst v13;
	v12 =	vmul.f32 v12, v8  }
0x324: {  	v13 =	vld [tilespmem:s30+$0x1400];
	[tilespmem:s5+$0x70] =	vst v15;
	v11 =	vmul.f32 v11, v7  }
0x325: {  	v42 =	vld [tilespmem:s12+$0x1400];
	[tilespmem:s0+$0x70] =	vst v12  }
0x326: {  	v39 =	vld [tilespmem:s11+$0x1400];
	[tilespmem:s10+$0x70] =	vst v11  }
0x327: {  	v40 =	vld [tilespmem:s14+$0x1400];
	s0 =	rddreg [dreg:$0x6]  }
0x328: {  	v41 =	vmul.f32 v14, v3;
	v43 =	vld [tilespmem:s13+$0x1400];
	s3 =	sadd.s32 $0x3100, s0  }
0x329: {  	v44 =	vmul.f32 v13, v5;
	s10 =	sadd.s32 $0x3100, s28;
	s5 =	sadd.s32 s4, s3  }
0x32a: {  	v14 =	vmul.f32 v42, v6;
	s16 =	sadd.s32 s2, s10;
	[tilespmem:s5+$0x0] =	vst v41  }
0x32b: {  	s18 =	sadd.s32 $0x3100, s20;
	v12 =	vmul.f32 v39, v4;
	s20 =	sadd.s32 s31, s10;
	[tilespmem:s16+$0x0] =	vst v44;
	v45 =	vld [tilespmem:s24+$0x1410]  }
0x32c: {  	v46 =	vmul.f32 v40, v8;
	[tilespmem:s20+$0x0] =	vst v14;
	s0 =	sadd.s32 s1, s3;
	v47 =	vld [tilespmem:s30+$0x1410]  }
0x32d: {  	s19 =	sadd.s32 s17, s18;
	v51 =	vld [tilespmem:s12+$0x1410];
	[tilespmem:s0+$0x0] =	vst v12;
	v49 =	vmul.f32 v43, v7  }
0x32e: {  	s22 =	sadd.s32 s21, s18;
	[tilespmem:s19+$0x0] =	vst v46;
	v48 =	vld [tilespmem:s11+$0x1410]  }
0x32f: {  	v50 =	vld [tilespmem:s14+$0x1410];
	[tilespmem:s22+$0x0] =	vst v49  }
0x330: {  	v11 =	vld [tilespmem:s13+$0x1410];
	v13 =	vmul.f32 v45, v3  }
0x331: {  	v12 =	vmul.f32 v47, v5  }
0x332: {  	v54 =	vmul.f32 v51, v6;
	[tilespmem:s5+$0x10] =	vst v13  }
0x333: {  	v15 =	vmul.f32 v48, v4;
	[tilespmem:s16+$0x10] =	vst v12;
	v13 =	vld [tilespmem:s24+$0x1420]  }
0x334: {  	v52 =	vmul.f32 v50, v8;
	[tilespmem:s20+$0x10] =	vst v54;
	v53 =	vld [tilespmem:s30+$0x1420]  }
0x335: {  	[tilespmem:s0+$0x10] =	vst v15;
	v15 =	vld [tilespmem:s12+$0x1420];
	v11 =	vmul.f32 v11, v7  }
0x336: {  	[tilespmem:s19+$0x10] =	vst v52;
	v55 =	vld [tilespmem:s11+$0x1420]  }
0x337: {  	v12 =	vld [tilespmem:s14+$0x1420];
	[tilespmem:s22+$0x10] =	vst v11  }
0x338: {  	v11 =	vld [tilespmem:s13+$0x1420];
	v13 =	vmul.f32 v13, v3  }
0x339: {  	v56 =	vmul.f32 v53, v5  }
0x33a: {  	v15 =	vmul.f32 v15, v6;
	[tilespmem:s5+$0x20] =	vst v13  }
0x33b: {  	v16 =	vmul.f32 v55, v4;
	[tilespmem:s16+$0x20] =	vst v56;
	v57 =	vld [tilespmem:s24+$0x1430]  }
0x33c: {  	v12 =	vmul.f32 v12, v8;
	[tilespmem:s20+$0x20] =	vst v15;
	v13 =	vld [tilespmem:s30+$0x1430]  }
0x33d: {  	[tilespmem:s0+$0x20] =	vst v16;
	v15 =	vld [tilespmem:s12+$0x1430];
	v11 =	vmul.f32 v11, v7  }
0x33e: {  	[tilespmem:s19+$0x20] =	vst v12;
	v16 =	vld [tilespmem:s11+$0x1430]  }
0x33f: {  	v10 =	vmul.f32 v10, v1;
	v12 =	vld [tilespmem:s14+$0x1430];
	[tilespmem:s22+$0x20] =	vst v11  }
0x340: {  	v11 =	vld [tilespmem:s13+$0x1430];
	v14 =	vmul.f32 v57, v3  }
0x341: {  	[tilespmem:s9+$0x30] =	vst v10;
	v13 =	vmul.f32 v13, v5  }
0x342: {  	v60 =	vld [tilespmem:s6+$0x1440];
	v61 =	vmul.f32 v15, v6;
	[tilespmem:s5+$0x30] =	vst v14  }
0x343: {  	v59 =	vmul.f32 v16, v4;
	[tilespmem:s16+$0x30] =	vst v13;
	v58 =	vld [tilespmem:s24+$0x1440]  }
0x344: {  	v12 =	vmul.f32 v12, v8;
	[tilespmem:s20+$0x30] =	vst v61;
	v13 =	vld [tilespmem:s30+$0x1440]  }
0x345: {  	[tilespmem:s0+$0x30] =	vst v59;
	v14 =	vld [tilespmem:s12+$0x1440];
	v11 =	vmul.f32 v11, v7  }
0x346: {  	v9 =	vmul.f32 v9, v2;
	[tilespmem:s19+$0x30] =	vst v12;
	v62 =	vld [tilespmem:s11+$0x1440]  }
0x347: {  	v63 =	vmul.f32 v60, v1;
	v12 =	vld [tilespmem:s14+$0x1440];
	[tilespmem:s22+$0x30] =	vst v11  }
0x348: {  	[tilespmem:s15+$0x60] =	vst v9;
	v11 =	vld [tilespmem:s13+$0x1440];
	v10 =	vmul.f32 v58, v3  }
0x349: {  	v20 =	vld [tilespmem:s23+$0x1470];
	[tilespmem:s9+$0x40] =	vst v63;
	v21 =	vmul.f32 v13, v5  }
0x34a: {  	v24 =	vld [tilespmem:s6+$0x1450];
	v14 =	vmul.f32 v14, v6;
	[tilespmem:s5+$0x40] =	vst v10  }
0x34b: {  	v23 =	vmul.f32 v62, v4;
	[tilespmem:s16+$0x40] =	vst v21;
	v22 =	vld [tilespmem:s24+$0x1450]  }
0x34c: {  	v12 =	vmul.f32 v12, v8;
	[tilespmem:s20+$0x40] =	vst v14;
	v25 =	vld [tilespmem:s30+$0x1450]  }
0x34d: {  	[tilespmem:s0+$0x40] =	vst v23;
	v29 =	vld [tilespmem:s12+$0x1450];
	v11 =	vmul.f32 v11, v7  }
0x34e: {  	v27 =	vmul.f32 v20, v2;
	[tilespmem:s19+$0x40] =	vst v12;
	v26 =	vld [tilespmem:s11+$0x1450]  }
0x34f: {  	v30 =	vmul.f32 v24, v1;
	v28 =	vld [tilespmem:s14+$0x1450];
	[tilespmem:s22+$0x40] =	vst v11  }
0x350: {  	[tilespmem:s15+$0x70] =	vst v27;
	v31 =	vld [tilespmem:s13+$0x1450];
	v9 =	vmul.f32 v22, v3  }
0x351: {  	[tilespmem:s9+$0x50] =	vst v30;
	v33 =	vmul.f32 v25, v5  }
0x352: {  	v32 =	vld [tilespmem:s29+$0x1460];
	v38 =	vmul.f32 v29, v6;
	[tilespmem:s5+$0x50] =	vst v9  }
0x353: {  	v12 =	vmul.f32 v26, v4;
	[tilespmem:s16+$0x50] =	vst v33;
	v34 =	vld [tilespmem:s24+$0x1460]  }
0x354: {  	v35 =	vld [tilespmem:s6+$0x1460];
	v36 =	vmul.f32 v28, v8;
	[tilespmem:s20+$0x50] =	vst v38  }
0x355: {  	[tilespmem:s0+$0x50] =	vst v12;
	v37 =	vld [tilespmem:s30+$0x1460];
	v40 =	vmul.f32 v31, v7  }
0x356: {  	[tilespmem:s19+$0x50] =	vst v36;
	v14 =	vld [tilespmem:s12+$0x1460]  }
0x357: {  	v41 =	vmul.f32 v32, v0;
	v39 =	vld [tilespmem:s11+$0x1460];
	[tilespmem:s22+$0x50] =	vst v40  }
0x358: {  	v42 =	vld [tilespmem:s14+$0x1460];
	s25 =	rddreg [dreg:$0x7];
	v2 =	vmul.f32 v34, v3  }
0x359: {  	v43 =	vmul.f32 v35, v1;
	v44 =	vld [tilespmem:s13+$0x1460];
	[tilespmem:s25+$0x60] =	vst v41  }
0x35a: {  	v46 =	vmul.f32 v37, v5;
	v45 =	vld [tilespmem:s29+$0x1470];
	[tilespmem:s5+$0x60] =	vst v2  }
0x35b: {  	[tilespmem:s9+$0x60] =	vst v43;
	v52 =	vmul.f32 v14, v6;
	v47 =	vld [tilespmem:s24+$0x1470]  }
0x35c: {  	v48 =	vmul.f32 v39, v4;
	[tilespmem:s16+$0x60] =	vst v46  }
0x35d: {  	v49 =	vld [tilespmem:s6+$0x1470];
	v50 =	vmul.f32 v42, v8;
	[tilespmem:s20+$0x60] =	vst v52  }
0x35e: {  	v51 =	vld [tilespmem:s30+$0x1470];
	[tilespmem:s0+$0x60] =	vst v48;
	v54 =	vmul.f32 v44, v7  }
0x35f: {  	[tilespmem:s19+$0x60] =	vst v50;
	v53 =	vld [tilespmem:s11+$0x1470];
	v56 =	vmul.f32 v45, v0  }
0x360: {  	v55 =	vld [tilespmem:s14+$0x1470];
	[tilespmem:s22+$0x60] =	vst v54;
	v57 =	vmul.f32 v47, v3  }
0x361: {  	[tilespmem:s25+$0x70] =	vst v56  }
0x362: {  	v59 =	vmul.f32 v49, v1;
	[tilespmem:s5+$0x70] =	vst v57  }
0x363: {  	v60 =	vmul.f32 v51, v5;
	s3 =	rddreg [dreg:$0xd]  }
0x364: {  	v9 =	vld [tilespmem:s12+$0x1470];
	v61 =	vmul.f32 v53, v4;
	s4 =	rddreg [dreg:$0x16];
	[tilespmem:s9+$0x70] =	vst v59  }
0x365: {  	v58 =	vld [tilespmem:s13+$0x1470];
	v62 =	vmul.f32 v55, v8;
	[tilespmem:s16+$0x70] =	vst v60  }
0x366: {  	[tilespmem:s0+$0x70] =	vst v61;
	s3 =	sadd.s32 s3, s4  }
0x367: {  	[tilespmem:s19+$0x70] =	vst v62;
	s3 =	sshrl.u32 s3, $0x3  }
0x368: {  	s5 =	rddreg [dreg:$0x15];
	s3 =	smul.u32 $0x1800, s3  }
0x369: {  	v63 =	vmul.f32 v9, v6;
	s28 =	rddreg [dreg:$0x10]  }
0x36a: {  	v0 =	vmul.f32 v58, v7;
	s26 =	sand.u32 $0x1, s5;
	s3 =	sadd.s32 s28, s3  }
0x36b: {  	s30 =	rddreg [dreg:$0x3];
	[tilespmem:s20+$0x70] =	vst v63;
	p1 =	seq.s32 s26, $0x1;
	s29 =	sshrl.u32 s3, $0x3  }
0x36c: {  	[tilespmem:s22+$0x70] =	vst v0;
	s1 =	simm.s32 @p1 $0x0;
	s2 =	simm.s32 @p1 $0xDD00;
	s0 =	sadd.s32 s30, s29  }
0x36d: {  	[hbm4b:s0+s1] =	stream.linear.scatter @p1 [tilespmem:s2], [sflag:$0x2], $0xC000, $0x38;
	[tilespmem:$0x19D00] =	vst v63  }
0x36e: {  	s5 =	sadd.s32 $0x1, s5;
	s1 =	simm.s32 @!p1 $0x0;
	s2 =	simm.s32 @!p1 $0x1D00  }
0x36f: {  	[hbm4b:s0+s1] =	stream.linear.scatter @!p1 [tilespmem:s2], [sflag:$0x1], $0xC000, $0x38;
	[tilespmem:$0x19D00] =	vst v63  }
0x370: {  	p1 =	sne.s32 s5, $0x8  }
.Ltmp1:
0x371: {  	_ = 	snop;
	(pc) =	sbr.rel @p1 .LBB2_2-.Ltmp1, $4  }
0x372: {  	_ = 	snop  }
0x373: {  	s7 =	rddreg [dreg:$0x13]  }
0x374: {  	s31 =	rddreg [dreg:$0x14]  }
0x375: {  	p0 =	por !p0, !p0;
	s7 =	sadd.s32 $0x40, s7;
	s11 =	sadd.s32 $0x40, s31  }
0x376: {  	s0 =	simm.s32 $0x1  }
0x377: {  	_ =	swait.ge [sflag:s0], $0xC000  }
0x378: {  	[sflag:s0] =	ssyncset.done $0x0  }
0x379: {  	s1 =	simm.s32 $0x2;
	[sflag:s0] =	ssyncadd.s32 $0xFFFF4000  }
0x37a: {  	_ =	swait.ge [sflag:s1], $0xC000  }
0x37b: {  	s2 =	rddreg [dreg:$0x12]  }
0x37c: {  	s31 =	rddreg [dreg:$0x11];
	s2 =	sadd.s32 $0x1, s2  }
0x37d: {  	p0 =	sne.s32 s2, s31  }
.Ltmp2:
0x37e: {  	_ = 	snop;
	(pc) =	sbr.rel @p0 .LBB2_1-.Ltmp2, $3  }
0x37f: {  	_ =	sdelay $0x1  }
0x380: {  	[sflag:s1] =	ssyncset.done $0x0  }
0x381: {  	[sflag:s1] =	ssyncadd.s32 $0xFFFF4000  }
0x382: {  	_ =	sfence.sel $0x180000  }
0x383: {  	[bflag:$0x0] =	sbarrier.arrive $0xFFFF  }
0x384: {  	_ =	strace $0x90000047  }
0x385: {  	s0 =	stileid.u32;
	[bflag:$0x2] =	sbarrier.arrive $0xFFFF  }
0x386: {  	p0 =	sne.s32 s0, $0x0;
	s0 =	rddreg [dreg:$0x4]  }
0x387: {  	s0 =	sadd.s32 @!p0 $0x100000, s0  }
0x388: {  	[sflag:s0] =	ssyncadd.tile.s32 @!p0 $0x1;
	_ =	shalt  }
.Lfunc_end2:
_tile_overlayer_lowered:
.L_overlay_start_2:
0x389: {  	(tag) =	ssettag $0x2  }
0x38a: {  	s0 =	rddreg [dreg:$0x0];
	s2 =	stileid.u32  }
0x38b: {  	s1 =	rddreg [dreg:$0x1];
	p0 =	sne.s32 s2, $0x0  }
0x38c: {  	s3 =	rddreg [dreg:$0x2];
	[bflag:$0x3] =	sbarrier.arrive $0xFFFF;
	s2 =	simm.s32 @!p0 $0x1C03  }
0x38d: {  	[timem:s3], [sflag:s2] =	dma.local @!p0 [hbm:s0], s1  }
0x38e: {  	s0 =	simm.s32 @!p0 $0x3  }
0x38f: {  	_ =	swait.ge @!p0 [sflag:s0], s1  }
0x390: {  	s1 =	ssub.s32 @!p0 $0x0, s1;
	[sflag:s0] =	ssyncset.done @!p0 $0x0  }
0x391: {  	[sflag:s0] =	ssyncadd.s32 @!p0 s1  }
0x392: {  	[bflag:$0x3] =	sbarrier.arrive $0xFFFF  }
0x393: {  	_ =	shalt  }

</sc_bundles>
